<compile_context>
chip_gen: v7x
topology: tpu7x:2x2x1
jax: 0.10.2.dev20260603
libtpu: 0.0.44.dev20260713+nightly
codegen_flags: <defaults>
</compile_context>

<pallas_src>
import functools

import jax
import jax.numpy as jnp
from jax import lax
from jax.experimental import pallas as pl
from jax.experimental.pallas import tpu as pltpu
from jax.experimental.pallas import tpu_sc as plsc

_NUM_OUT = 10000
_NUM_IN = 320000
_D = 128
_NNZ = 640000

_NC = 2
_NS = 16
_NW = _NC * _NS
_CH = 128
_CHUNKS_BASE = 156
_EXTRA_TILES = 5000 - _NW * _CHUNKS_BASE

_ROW_STRIDE = 624
_RCH = 128
_RCOPIES = 5


def _sc_body(feat_hbm, rows_hbm, cols_hbm, vals_hbm, out_hbm,
             cols_v0, cols_v1, cols_v2, vals_v0, vals_v1, vals_v2,
             rows_v0, rows_v1, rows_v2, gbuf0, gbuf1, gbuf2, acc_sh,
             gsem0, gsem1, gsem2, csem0, csem1, csem2,
             vsem0, vsem1, vsem2, rsem0, rsem1, rsem2,
             ssem0, ssem1, ssem2):
    c = lax.axis_index("c")
    s = lax.axis_index("s")
    wid = c * _NS + s
    eb = (wid * _CHUNKS_BASE + jnp.minimum(wid, _EXTRA_TILES)) * _CH
    my_chunks = _CHUNKS_BASE + jnp.where(wid < _EXTRA_TILES, 1, 0)

    @plsc.parallel_loop(0, _RCH, 1, unroll=4)
    def _zero_row(e):
        zero = jnp.zeros((16,), jnp.float32)
        for j in range(_D // 16):
            gbuf0[e, pl.ds(j * 16, 16)] = zero
    row0 = s * _ROW_STRIDE
    for i in range(_RCOPIES):
        pltpu.async_copy(gbuf0, acc_sh.at[pl.ds(row0 + i * _RCH, _RCH)],
                         gsem0)
    for i in range(_RCOPIES):
        pltpu.make_async_copy(
            gbuf0, acc_sh.at[pl.ds(row0, _RCH)], gsem0).wait()
    plsc.subcore_barrier()

    gb = (gbuf0, gbuf1, gbuf2)
    gs = (gsem0, gsem1, gsem2)
    cv = (cols_v0, cols_v1, cols_v2)
    cs = (csem0, csem1, csem2)
    vv = (vals_v0, vals_v1, vals_v2)
    vs = (vsem0, vsem1, vsem2)
    rv = (rows_v0, rows_v1, rows_v2)
    rs = (rsem0, rsem1, rsem2)
    ss = (ssem0, ssem1, ssem2)

    for b in range(2):
        pltpu.sync_copy(cols_hbm.at[pl.ds(eb + b * _CH, _CH)], cv[b])
        pltpu.async_copy(vals_hbm.at[pl.ds(eb + b * _CH, _CH)],
                         vv[b].at[pl.ds(0, _CH)], vs[b])
        pltpu.async_copy(rows_hbm.at[pl.ds(eb + b * _CH, _CH)], rv[b], rs[b])
        for h in range(2):
            hs = pl.ds(h * (_CH // 2), _CH // 2)
            pltpu.async_copy(feat_hbm.at[cv[b].at[hs]], gb[b].at[hs], gs[b])

    def _triple(k, _):
        for b in range(3):
            ci = 3 * k + b
            b2 = (b + 2) % 3
            live = ci < my_chunks - 2
            pltpu.make_async_copy(feat_hbm.at[cv[b]], gb[b], gs[b]).wait()

            @pl.when(live)
            def _():
                nc = ci + 2
                pltpu.async_copy(cols_hbm.at[pl.ds(eb + nc * _CH, _CH)],
                                 cv[b2], cs[b2])
                pltpu.async_copy(vals_hbm.at[pl.ds(eb + nc * _CH, _CH)],
                                 vv[b2].at[pl.ds(0, _CH)], vs[b2])

            pltpu.make_async_copy(
                vals_hbm.at[pl.ds(0, _CH)], vv[b].at[pl.ds(0, _CH)],
                vs[b]).wait()

            @plsc.parallel_loop(0, _CH, 1, unroll=4)
            def _scale(e):
                sc_ = jnp.full((16,), vv[b][pl.ds(e, 16)][0], jnp.float32)
                for j in range(_D // 16):
                    sl = pl.ds(j * 16, 16)
                    gb[b][e, sl] = gb[b][e, sl] * sc_

            pltpu.make_async_copy(rows_hbm.at[pl.ds(0, _CH)],
                                  rv[b], rs[b]).wait()
            pltpu.async_copy(gb[b], acc_sh.at[rv[b]], ss[b], add=True)

            @pl.when(jnp.logical_and(live, ci >= 1))
            def _():
                pltpu.make_async_copy(
                    gb[b2], acc_sh.at[rv[b2]], ss[b2]).wait()

            @pl.when(live)
            def _():
                nc = ci + 2
                pltpu.make_async_copy(
                    cols_hbm.at[pl.ds(0, _CH)], cv[b2], cs[b2]).wait()
                for h in range(2):
                    hs = pl.ds(h * (_CH // 2), _CH // 2)
                    pltpu.async_copy(feat_hbm.at[cv[b2].at[hs]],
                                     gb[b2].at[hs], gs[b2])
                pltpu.async_copy(rows_hbm.at[pl.ds(eb + nc * _CH, _CH)],
                                 rv[b2], rs[b2])
        return 0
    lax.fori_loop(0, _CHUNKS_BASE // 3, _triple, 0)

    @pl.when(wid < _EXTRA_TILES)
    def _():
        tb = 0
        pltpu.make_async_copy(feat_hbm.at[cv[tb]], gb[tb], gs[tb]).wait()
        pltpu.make_async_copy(
            vals_hbm.at[pl.ds(0, _CH)], vv[tb].at[pl.ds(0, _CH)],
            vs[tb]).wait()

        @plsc.parallel_loop(0, _CH, 1, unroll=4)
        def _scale_tail(e):
            sc_ = jnp.full((16,), vv[tb][pl.ds(e, 16)][0], jnp.float32)
            for j in range(_D // 16):
                sl = pl.ds(j * 16, 16)
                gb[tb][e, sl] = gb[tb][e, sl] * sc_

        pltpu.make_async_copy(rows_hbm.at[pl.ds(0, _CH)],
                              rv[tb], rs[tb]).wait()
        pltpu.async_copy(gb[tb], acc_sh.at[rv[tb]], ss[tb], add=True)

    for b in range(3):
        pltpu.make_async_copy(gb[b], acc_sh.at[rv[b]], ss[b]).wait()

    plsc.subcore_barrier()
    for i in range(_RCOPIES):
        r0 = row0 + i * _RCH
        pltpu.async_copy(acc_sh.at[pl.ds(r0, _RCH)],
                         out_hbm.at[c, pl.ds(r0, _RCH)], gsem0)
    for i in range(_RCOPIES):
        pltpu.make_async_copy(acc_sh.at[pl.ds(row0, _RCH)],
                              out_hbm.at[c, pl.ds(row0, _RCH)], gsem0).wait()


_sc_spmm = functools.partial(
    pl.kernel,
    out_type=jax.ShapeDtypeStruct((_NC, _NUM_OUT, _D), jnp.float32),
    mesh=plsc.VectorSubcoreMesh(core_axis_name="c", subcore_axis_name="s"),
    scratch_types=(
        [pltpu.VMEM((_CH,), jnp.int32)] * 3
        + [pltpu.VMEM((_CH + 16,), jnp.float32)] * 3
        + [pltpu.VMEM((_CH,), jnp.int32)] * 3
        + [pltpu.VMEM((_CH, _D), jnp.float32)] * 3
        + [pltpu.VMEM_SHARED((_NUM_OUT, _D), jnp.float32)]
        + [pltpu.SemaphoreType.DMA] * 15
    ),
)(_sc_body)


def _sum2_body(p_ref, o_ref):
    o_ref[...] = p_ref[0] + p_ref[1]


def _sum_partials(partials):
    blk = 2000
    return pl.pallas_call(
        _sum2_body,
        grid=(_NUM_OUT // blk,),
        in_specs=[pl.BlockSpec((_NC, blk, _D), lambda i: (0, i, 0))],
        out_specs=pl.BlockSpec((blk, _D), lambda i: (i, 0)),
        out_shape=jax.ShapeDtypeStruct((_NUM_OUT, _D), jnp.float32),
    )(partials)


@jax.jit
def kernel(simplex_features, boundary_indices, boundary_values):
    rows = boundary_indices[0].astype(jnp.int32)
    cols = boundary_indices[1].astype(jnp.int32)
    vals = boundary_values.astype(jnp.float32)
    partials = _sc_spmm(simplex_features, rows, cols, vals)
    return _sum_partials(partials)

# --- scband reference (transcript-rebuilt; emitter-appended) ---
"""Pipeline reference for scband-boundary-operator-36756330119900 (READ-ONLY COPY).

The authoritative reference and input builder live on the scoring server;
editing this copy changes nothing except your own understanding.
"""

import jax, jax.numpy as jnp
import numpy as np

NUM_OUT = 10000   # number of (k-1)-simplices (rows of boundary matrix)
NUM_IN = 320000   # number of k-simplices (cols of boundary matrix)
D_FEAT = 128
NNZ = 640000      # 2 boundary vertices per edge


def setup_inputs(seed: int = 0) -> dict:
    key = jax.random.key(seed)
    k1, k2, k3, k4 = jax.random.split(key, 4)
    simplex_features = jax.random.normal(k1, (NUM_IN, D_FEAT), dtype=jnp.float32)
    rows = jax.random.randint(k2, (NNZ,), 0, NUM_OUT, dtype=jnp.int64)
    cols = jax.random.randint(k3, (NNZ,), 0, NUM_IN, dtype=jnp.int64)
    boundary_indices = jnp.stack([rows, cols], axis=0)
    boundary_values = jax.random.normal(k4, (NNZ,), dtype=jnp.float32)
    return {
        "simplex_features": simplex_features,
        "boundary_indices": boundary_indices,
        "boundary_values": boundary_values,
    }


def reference(simplex_features, boundary_indices, boundary_values):
    # torch.sparse.mm(boundary_matrix, simplex_features) with COO boundary matrix
    # out[r, :] += v * simplex_features[c, :] for each nonzero (r, c, v)
    rows = boundary_indices[0]
    cols = boundary_indices[1]
    gathered = jnp.take(simplex_features, cols, axis=0)           # [NNZ, D]
    contrib = boundary_values[:, None] * gathered                 # [NNZ, D]
    out = jnp.zeros((NUM_OUT, simplex_features.shape[1]), dtype=simplex_features.dtype)
    out = out.at[rows].add(contrib)
    return out

if __name__ == "__main__":
    import jax
    _d = setup_inputs()
    print(jax.jit(kernel)(*tuple(_d.values())))

</pallas_src>

<mosaic_0001>
#map = affine_map<(d0, d1) -> (0, 0)>
#map1 = affine_map<(d0, d1) -> (0)>
#map2 = affine_map<(d0, d1) -> (0, 0, 0)>
module attributes {stable_mosaic.version = 14 : i64} {
  func.func @_sc_body(%arg0: i32, %arg1: i32, %arg2: memref<320000x128xf32, #tpu.memory_space<hbm>>, %arg3: memref<640000xi32, #tpu.memory_space<hbm>>, %arg4: memref<640000xi32, #tpu.memory_space<hbm>>, %arg5: memref<640000xf32, #tpu.memory_space<hbm>>, %arg6: memref<2x10000x128xf32, #tpu.memory_space<hbm>>, %arg7: memref<128xi32, #tpu.memory_space<vmem>>, %arg8: memref<128xi32, #tpu.memory_space<vmem>>, %arg9: memref<128xi32, #tpu.memory_space<vmem>>, %arg10: memref<144xf32, #tpu.memory_space<vmem>>, %arg11: memref<144xf32, #tpu.memory_space<vmem>>, %arg12: memref<144xf32, #tpu.memory_space<vmem>>, %arg13: memref<128xi32, #tpu.memory_space<vmem>>, %arg14: memref<128xi32, #tpu.memory_space<vmem>>, %arg15: memref<128xi32, #tpu.memory_space<vmem>>, %arg16: memref<128x128xf32, #tpu.memory_space<vmem>>, %arg17: memref<128x128xf32, #tpu.memory_space<vmem>>, %arg18: memref<128x128xf32, #tpu.memory_space<vmem>>, %arg19: memref<10000x128xf32, #tpu.memory_space<vmem_shared>>, %arg20: memref<!tpu.dma_semaphore, #tpu.memory_space<semaphore_mem>>, %arg21: memref<!tpu.dma_semaphore, #tpu.memory_space<semaphore_mem>>, %arg22: memref<!tpu.dma_semaphore, #tpu.memory_space<semaphore_mem>>, %arg23: memref<!tpu.dma_semaphore, #tpu.memory_space<semaphore_mem>>, %arg24: memref<!tpu.dma_semaphore, #tpu.memory_space<semaphore_mem>>, %arg25: memref<!tpu.dma_semaphore, #tpu.memory_space<semaphore_mem>>, %arg26: memref<!tpu.dma_semaphore, #tpu.memory_space<semaphore_mem>>, %arg27: memref<!tpu.dma_semaphore, #tpu.memory_space<semaphore_mem>>, %arg28: memref<!tpu.dma_semaphore, #tpu.memory_space<semaphore_mem>>, %arg29: memref<!tpu.dma_semaphore, #tpu.memory_space<semaphore_mem>>, %arg30: memref<!tpu.dma_semaphore, #tpu.memory_space<semaphore_mem>>, %arg31: memref<!tpu.dma_semaphore, #tpu.memory_space<semaphore_mem>>, %arg32: memref<!tpu.dma_semaphore, #tpu.memory_space<semaphore_mem>>, %arg33: memref<!tpu.dma_semaphore, #tpu.memory_space<semaphore_mem>>, %arg34: memref<!tpu.dma_semaphore, #tpu.memory_space<semaphore_mem>>) attributes {dimension_semantics = [#tpu.dimension_semantics<core_parallel>, #tpu.dimension_semantics<subcore_parallel>], iteration_bounds = array<i64: 2, 16>, scalar_prefetch = 0 : i64, scratch_operands = 28 : i64, tpu.core_type = #tpu.core_type<sc_vector_subcore>, window_params = [{transform_indices = #map}, {transform_indices = #map1}, {transform_indices = #map1}, {transform_indices = #map1}, {transform_indices = #map2}]} {
    %mul3A = arith.constant 16 : i32
    %mul3A_0 = arith.muli %arg0, %mul3A : i32
    %add3A = arith.addi %mul3A_0, %arg1 : i32
    %mul3A_1 = arith.constant 156 : i32
    %mul3A_2 = arith.muli %add3A, %mul3A_1 : i32
    %min3A = arith.constant 8 : i32
    %min3A_3 = arith.minsi %add3A, %min3A : i32
    %add3A_4 = arith.addi %mul3A_2, %min3A_3 : i32
    %mul3A_5 = arith.constant 128 : i32
    %mul3A_6 = arith.muli %add3A_4, %mul3A_5 : i32
    %lt3A = arith.constant 8 : i32
    %lt3A_7 = arith.cmpi slt, %add3A, %lt3A : i32
    %jit3A = arith.constant 1 : i32
    %jit3A_8 = arith.constant 0 : i32
    %select_n3A = arith.select %lt3A_7, %jit3A, %jit3A_8 : i32
    %add3A_9 = arith.constant 156 : i32
    %add3A_10 = arith.addi %add3A_9, %select_n3A : i32
    %parallel_loop3A = arith.constant 0 : i32
    %parallel_loop3A_11 = arith.constant 128 : i32
    %parallel_loop3A_12 = arith.constant 1 : i32
    scf.for %parallel_loop3A_202 = %parallel_loop3A to %parallel_loop3A_11 step %parallel_loop3A_12  : i32 {
      %parallel_loop3A_203 = arith.constant 0.000000e+00 : f32
      %parallel_loop3A_204 = vector.broadcast %parallel_loop3A_203 : f32 to vector<16xf32>
      %parallel_loop3A_205 = arith.index_cast %parallel_loop3A_202 : i32 to index
      %parallel_loop3A_206 = arith.constant 0 : index
      %parallel_loop3A_207 = tpu.vector_load %arg16[%parallel_loop3A_205, %parallel_loop3A_206] {strides = array<i32>} : memref<128x128xf32, #tpu.memory_space<vmem>>, vector<1x16xf32>,
      %parallel_loop3A_208 = vector.shape_cast %parallel_loop3A_207 : vector<1x16xf32> to vector<16xf32>
      %parallel_loop3A_209 = vector.shape_cast %parallel_loop3A_204 : vector<16xf32> to vector<1x16xf32>
      tpu.vector_store %arg16[%parallel_loop3A_205, %parallel_loop3A_206], %parallel_loop3A_209 {strides = array<i32>} : memref<128x128xf32, #tpu.memory_space<vmem>>, vector<1x16xf32>,
      %parallel_loop3A_210 = arith.index_cast %parallel_loop3A_202 : i32 to index
      %parallel_loop3A_211 = arith.constant 16 : index
      %parallel_loop3A_212 = tpu.vector_load %arg16[%parallel_loop3A_210, %parallel_loop3A_211] {strides = array<i32>} : memref<128x128xf32, #tpu.memory_space<vmem>>, vector<1x16xf32>,
      %parallel_loop3A_213 = vector.shape_cast %parallel_loop3A_212 : vector<1x16xf32> to vector<16xf32>
      %parallel_loop3A_214 = vector.shape_cast %parallel_loop3A_204 : vector<16xf32> to vector<1x16xf32>
      tpu.vector_store %arg16[%parallel_loop3A_210, %parallel_loop3A_211], %parallel_loop3A_214 {strides = array<i32>} : memref<128x128xf32, #tpu.memory_space<vmem>>, vector<1x16xf32>,
      %parallel_loop3A_215 = arith.index_cast %parallel_loop3A_202 : i32 to index
      %parallel_loop3A_216 = arith.constant 32 : index
      %parallel_loop3A_217 = tpu.vector_load %arg16[%parallel_loop3A_215, %parallel_loop3A_216] {strides = array<i32>} : memref<128x128xf32, #tpu.memory_space<vmem>>, vector<1x16xf32>,
      %parallel_loop3A_218 = vector.shape_cast %parallel_loop3A_217 : vector<1x16xf32> to vector<16xf32>
      %parallel_loop3A_219 = vector.shape_cast %parallel_loop3A_204 : vector<16xf32> to vector<1x16xf32>
      tpu.vector_store %arg16[%parallel_loop3A_215, %parallel_loop3A_216], %parallel_loop3A_219 {strides = array<i32>} : memref<128x128xf32, #tpu.memory_space<vmem>>, vector<1x16xf32>,
      %parallel_loop3A_220 = arith.index_cast %parallel_loop3A_202 : i32 to index
      %parallel_loop3A_221 = arith.constant 48 : index
      %parallel_loop3A_222 = tpu.vector_load %arg16[%parallel_loop3A_220, %parallel_loop3A_221] {strides = array<i32>} : memref<128x128xf32, #tpu.memory_space<vmem>>, vector<1x16xf32>,
      %parallel_loop3A_223 = vector.shape_cast %parallel_loop3A_222 : vector<1x16xf32> to vector<16xf32>
      %parallel_loop3A_224 = vector.shape_cast %parallel_loop3A_204 : vector<16xf32> to vector<1x16xf32>
      tpu.vector_store %arg16[%parallel_loop3A_220, %parallel_loop3A_221], %parallel_loop3A_224 {strides = array<i32>} : memref<128x128xf32, #tpu.memory_space<vmem>>, vector<1x16xf32>,
      %parallel_loop3A_225 = arith.index_cast %parallel_loop3A_202 : i32 to index
      %parallel_loop3A_226 = arith.constant 64 : index
      %parallel_loop3A_227 = tpu.vector_load %arg16[%parallel_loop3A_225, %parallel_loop3A_226] {strides = array<i32>} : memref<128x128xf32, #tpu.memory_space<vmem>>, vector<1x16xf32>,
      %parallel_loop3A_228 = vector.shape_cast %parallel_loop3A_227 : vector<1x16xf32> to vector<16xf32>
      %parallel_loop3A_229 = vector.shape_cast %parallel_loop3A_204 : vector<16xf32> to vector<1x16xf32>
      tpu.vector_store %arg16[%parallel_loop3A_225, %parallel_loop3A_226], %parallel_loop3A_229 {strides = array<i32>} : memref<128x128xf32, #tpu.memory_space<vmem>>, vector<1x16xf32>,
      %parallel_loop3A_230 = arith.index_cast %parallel_loop3A_202 : i32 to index
      %parallel_loop3A_231 = arith.constant 80 : index
      %parallel_loop3A_232 = tpu.vector_load %arg16[%parallel_loop3A_230, %parallel_loop3A_231] {strides = array<i32>} : memref<128x128xf32, #tpu.memory_space<vmem>>, vector<1x16xf32>,
      %parallel_loop3A_233 = vector.shape_cast %parallel_loop3A_232 : vector<1x16xf32> to vector<16xf32>
      %parallel_loop3A_234 = vector.shape_cast %parallel_loop3A_204 : vector<16xf32> to vector<1x16xf32>
      tpu.vector_store %arg16[%parallel_loop3A_230, %parallel_loop3A_231], %parallel_loop3A_234 {strides = array<i32>} : memref<128x128xf32, #tpu.memory_space<vmem>>, vector<1x16xf32>,
      %parallel_loop3A_235 = arith.index_cast %parallel_loop3A_202 : i32 to index
      %parallel_loop3A_236 = arith.constant 96 : index
      %parallel_loop3A_237 = tpu.vector_load %arg16[%parallel_loop3A_235, %parallel_loop3A_236] {strides = array<i32>} : memref<128x128xf32, #tpu.memory_space<vmem>>, vector<1x16xf32>,
      %parallel_loop3A_238 = vector.shape_cast %parallel_loop3A_237 : vector<1x16xf32> to vector<16xf32>
      %parallel_loop3A_239 = vector.shape_cast %parallel_loop3A_204 : vector<16xf32> to vector<1x16xf32>
      tpu.vector_store %arg16[%parallel_loop3A_235, %parallel_loop3A_236], %parallel_loop3A_239 {strides = array<i32>} : memref<128x128xf32, #tpu.memory_space<vmem>>, vector<1x16xf32>,
      %parallel_loop3A_240 = arith.index_cast %parallel_loop3A_202 : i32 to index
      %parallel_loop3A_241 = arith.constant 112 : index
      %parallel_loop3A_242 = tpu.vector_load %arg16[%parallel_loop3A_240, %parallel_loop3A_241] {strides = array<i32>} : memref<128x128xf32, #tpu.memory_space<vmem>>, vector<1x16xf32>,
      %parallel_loop3A_243 = vector.shape_cast %parallel_loop3A_242 : vector<1x16xf32> to vector<16xf32>
      %parallel_loop3A_244 = vector.shape_cast %parallel_loop3A_204 : vector<16xf32> to vector<1x16xf32>
      tpu.vector_store %arg16[%parallel_loop3A_240, %parallel_loop3A_241], %parallel_loop3A_244 {strides = array<i32>} : memref<128x128xf32, #tpu.memory_space<vmem>>, vector<1x16xf32>,
    } {sc.loop_unroll_factor = 4 : i64, sc.parallel_access}
    %mul3A_13 = arith.constant 624 : i32
    %mul3A_14 = arith.muli %arg1, %mul3A_13 : i32
    %add3A_15 = arith.constant 0 : i32
    %add3A_16 = arith.addi %mul3A_14, %add3A_15 : i32
    %dma_start3A = arith.constant 0 : i32
    %dma_start3A_17 = tpu.memref_slice %arg19[%add3A_16, %dma_start3A] : memref<10000x128xf32, #tpu.memory_space<vmem_shared>> -> memref<128x128xf32, #tpu.memory_space<vmem_shared>>
    %dma_start3A_18 = arith.constant 0 : i32
    %dma_start3A_19 = tpu.memref_slice %arg19[%add3A_16, %dma_start3A_18] : memref<10000x128xf32, #tpu.memory_space<vmem_shared>> -> memref<128x128xf32, #tpu.memory_space<vmem_shared>>
    tpu.enqueue_dma source(%arg16 : memref<128x128xf32, #tpu.memory_space<vmem>>) target(%dma_start3A_19 : memref<128x128xf32, #tpu.memory_space<vmem_shared>>) target_semaphore(%arg20 : memref<!tpu.dma_semaphore, #tpu.memory_space<semaphore_mem>>)
    %add3A_20 = arith.constant 128 : i32
    %add3A_21 = arith.addi %mul3A_14, %add3A_20 : i32
    %dma_start3A_22 = arith.constant 0 : i32
    %dma_start3A_23 = tpu.memref_slice %arg19[%add3A_21, %dma_start3A_22] : memref<10000x128xf32, #tpu.memory_space<vmem_shared>> -> memref<128x128xf32, #tpu.memory_space<vmem_shared>>
    %dma_start3A_24 = arith.constant 0 : i32
    %dma_start3A_25 = tpu.memref_slice %arg19[%add3A_21, %dma_start3A_24] : memref<10000x128xf32, #tpu.memory_space<vmem_shared>> -> memref<128x128xf32, #tpu.memory_space<vmem_shared>>
    tpu.enqueue_dma source(%arg16 : memref<128x128xf32, #tpu.memory_space<vmem>>) target(%dma_start3A_25 : memref<128x128xf32, #tpu.memory_space<vmem_shared>>) target_semaphore(%arg20 : memref<!tpu.dma_semaphore, #tpu.memory_space<semaphore_mem>>)
    %add3A_26 = arith.constant 256 : i32
    %add3A_27 = arith.addi %mul3A_14, %add3A_26 : i32
    %dma_start3A_28 = arith.constant 0 : i32
    %dma_start3A_29 = tpu.memref_slice %arg19[%add3A_27, %dma_start3A_28] : memref<10000x128xf32, #tpu.memory_space<vmem_shared>> -> memref<128x128xf32, #tpu.memory_space<vmem_shared>>
    %dma_start3A_30 = arith.constant 0 : i32
    %dma_start3A_31 = tpu.memref_slice %arg19[%add3A_27, %dma_start3A_30] : memref<10000x128xf32, #tpu.memory_space<vmem_shared>> -> memref<128x128xf32, #tpu.memory_space<vmem_shared>>
    tpu.enqueue_dma source(%arg16 : memref<128x128xf32, #tpu.memory_space<vmem>>) target(%dma_start3A_31 : memref<128x128xf32, #tpu.memory_space<vmem_shared>>) target_semaphore(%arg20 : memref<!tpu.dma_semaphore, #tpu.memory_space<semaphore_mem>>)
    %add3A_32 = arith.constant 384 : i32
    %add3A_33 = arith.addi %mul3A_14, %add3A_32 : i32
    %dma_start3A_34 = arith.constant 0 : i32
    %dma_start3A_35 = tpu.memref_slice %arg19[%add3A_33, %dma_start3A_34] : memref<10000x128xf32, #tpu.memory_space<vmem_shared>> -> memref<128x128xf32, #tpu.memory_space<vmem_shared>>
    %dma_start3A_36 = arith.constant 0 : i32
    %dma_start3A_37 = tpu.memref_slice %arg19[%add3A_33, %dma_start3A_36] : memref<10000x128xf32, #tpu.memory_space<vmem_shared>> -> memref<128x128xf32, #tpu.memory_space<vmem_shared>>
    tpu.enqueue_dma source(%arg16 : memref<128x128xf32, #tpu.memory_space<vmem>>) target(%dma_start3A_37 : memref<128x128xf32, #tpu.memory_space<vmem_shared>>) target_semaphore(%arg20 : memref<!tpu.dma_semaphore, #tpu.memory_space<semaphore_mem>>)
    %add3A_38 = arith.constant 512 : i32
    %add3A_39 = arith.addi %mul3A_14, %add3A_38 : i32
    %dma_start3A_40 = arith.constant 0 : i32
    %dma_start3A_41 = tpu.memref_slice %arg19[%add3A_39, %dma_start3A_40] : memref<10000x128xf32, #tpu.memory_space<vmem_shared>> -> memref<128x128xf32, #tpu.memory_space<vmem_shared>>
    %dma_start3A_42 = arith.constant 0 : i32
    %dma_start3A_43 = tpu.memref_slice %arg19[%add3A_39, %dma_start3A_42] : memref<10000x128xf32, #tpu.memory_space<vmem_shared>> -> memref<128x128xf32, #tpu.memory_space<vmem_shared>>
    tpu.enqueue_dma source(%arg16 : memref<128x128xf32, #tpu.memory_space<vmem>>) target(%dma_start3A_43 : memref<128x128xf32, #tpu.memory_space<vmem_shared>>) target_semaphore(%arg20 : memref<!tpu.dma_semaphore, #tpu.memory_space<semaphore_mem>>)
    %dma_wait3A = arith.constant 0 : i32
    %dma_wait3A_44 = tpu.memref_slice %arg19[%mul3A_14, %dma_wait3A] : memref<10000x128xf32, #tpu.memory_space<vmem_shared>> -> memref<128x128xf32, #tpu.memory_space<vmem_shared>>
    %dma_wait3A_45 = arith.constant 0 : i32
    %dma_wait3A_46 = tpu.memref_slice %arg19[%mul3A_14, %dma_wait3A_45] : memref<10000x128xf32, #tpu.memory_space<vmem_shared>> -> memref<128x128xf32, #tpu.memory_space<vmem_shared>>
    tpu.wait_dma2 semaphore(%arg20 : memref<!tpu.dma_semaphore, #tpu.memory_space<semaphore_mem>>) src(%arg16 : memref<128x128xf32, #tpu.memory_space<vmem>>) dst(%dma_wait3A_46 : memref<128x128xf32, #tpu.memory_space<vmem_shared>>)
    %dma_wait3A_47 = arith.constant 0 : i32
    %dma_wait3A_48 = tpu.memref_slice %arg19[%mul3A_14, %dma_wait3A_47] : memref<10000x128xf32, #tpu.memory_space<vmem_shared>> -> memref<128x128xf32, #tpu.memory_space<vmem_shared>>
    %dma_wait3A_49 = arith.constant 0 : i32
    %dma_wait3A_50 = tpu.memref_slice %arg19[%mul3A_14, %dma_wait3A_49] : memref<10000x128xf32, #tpu.memory_space<vmem_shared>> -> memref<128x128xf32, #tpu.memory_space<vmem_shared>>
    tpu.wait_dma2 semaphore(%arg20 : memref<!tpu.dma_semaphore, #tpu.memory_space<semaphore_mem>>) src(%arg16 : memref<128x128xf32, #tpu.memory_space<vmem>>) dst(%dma_wait3A_50 : memref<128x128xf32, #tpu.memory_space<vmem_shared>>)
    %dma_wait3A_51 = arith.constant 0 : i32
    %dma_wait3A_52 = tpu.memref_slice %arg19[%mul3A_14, %dma_wait3A_51] : memref<10000x128xf32, #tpu.memory_space<vmem_shared>> -> memref<128x128xf32, #tpu.memory_space<vmem_shared>>
    %dma_wait3A_53 = arith.constant 0 : i32
    %dma_wait3A_54 = tpu.memref_slice %arg19[%mul3A_14, %dma_wait3A_53] : memref<10000x128xf32, #tpu.memory_space<vmem_shared>> -> memref<128x128xf32, #tpu.memory_space<vmem_shared>>
    tpu.wait_dma2 semaphore(%arg20 : memref<!tpu.dma_semaphore, #tpu.memory_space<semaphore_mem>>) src(%arg16 : memref<128x128xf32, #tpu.memory_space<vmem>>) dst(%dma_wait3A_54 : memref<128x128xf32, #tpu.memory_space<vmem_shared>>)
    %dma_wait3A_55 = arith.constant 0 : i32
    %dma_wait3A_56 = tpu.memref_slice %arg19[%mul3A_14, %dma_wait3A_55] : memref<10000x128xf32, #tpu.memory_space<vmem_shared>> -> memref<128x128xf32, #tpu.memory_space<vmem_shared>>
    %dma_wait3A_57 = arith.constant 0 : i32
    %dma_wait3A_58 = tpu.memref_slice %arg19[%mul3A_14, %dma_wait3A_57] : memref<10000x128xf32, #tpu.memory_space<vmem_shared>> -> memref<128x128xf32, #tpu.memory_space<vmem_shared>>
    tpu.wait_dma2 semaphore(%arg20 : memref<!tpu.dma_semaphore, #tpu.memory_space<semaphore_mem>>) src(%arg16 : memref<128x128xf32, #tpu.memory_space<vmem>>) dst(%dma_wait3A_58 : memref<128x128xf32, #tpu.memory_space<vmem_shared>>)
    %dma_wait3A_59 = arith.constant 0 : i32
    %dma_wait3A_60 = tpu.memref_slice %arg19[%mul3A_14, %dma_wait3A_59] : memref<10000x128xf32, #tpu.memory_space<vmem_shared>> -> memref<128x128xf32, #tpu.memory_space<vmem_shared>>
    %dma_wait3A_61 = arith.constant 0 : i32
    %dma_wait3A_62 = tpu.memref_slice %arg19[%mul3A_14, %dma_wait3A_61] : memref<10000x128xf32, #tpu.memory_space<vmem_shared>> -> memref<128x128xf32, #tpu.memory_space<vmem_shared>>
    tpu.wait_dma2 semaphore(%arg20 : memref<!tpu.dma_semaphore, #tpu.memory_space<semaphore_mem>>) src(%arg16 : memref<128x128xf32, #tpu.memory_space<vmem>>) dst(%dma_wait3A_62 : memref<128x128xf32, #tpu.memory_space<vmem_shared>>)
    %barrier3A = arith.constant 0 : index
    tpu.barrier barrier_id(%barrier3A)
    %add3A_63 = arith.constant 0 : i32
    %add3A_64 = arith.addi %mul3A_6, %add3A_63 : i32
    "tpu.region"() ({
      %run_scoped3A = tpu.sem_alloc : memref<!tpu.dma_semaphore, #tpu.memory_space<semaphore_mem>>
      %dma_start3A_202 = tpu.memref_slice %arg4[%add3A_64] : memref<640000xi32, #tpu.memory_space<hbm>> -> memref<128xi32, #tpu.memory_space<hbm>>
      %dma_start3A_203 = tpu.memref_slice %arg4[%add3A_64] : memref<640000xi32, #tpu.memory_space<hbm>> -> memref<128xi32, #tpu.memory_space<hbm>>
      tpu.enqueue_dma source(%dma_start3A_203 : memref<128xi32, #tpu.memory_space<hbm>>) target(%arg7 : memref<128xi32, #tpu.memory_space<vmem>>) target_semaphore(%run_scoped3A : memref<!tpu.dma_semaphore, #tpu.memory_space<semaphore_mem>>)
      %dma_wait3A_204 = tpu.memref_slice %arg4[%add3A_64] : memref<640000xi32, #tpu.memory_space<hbm>> -> memref<128xi32, #tpu.memory_space<hbm>>
      %dma_wait3A_205 = tpu.memref_slice %arg4[%add3A_64] : memref<640000xi32, #tpu.memory_space<hbm>> -> memref<128xi32, #tpu.memory_space<hbm>>
      tpu.wait_dma2 semaphore(%run_scoped3A : memref<!tpu.dma_semaphore, #tpu.memory_space<semaphore_mem>>) src(%dma_wait3A_205 : memref<128xi32, #tpu.memory_space<hbm>>) dst(%arg7 : memref<128xi32, #tpu.memory_space<vmem>>)
      tpu.yield
    }) : () -> ()
    %add3A_65 = arith.constant 0 : i32
    %add3A_66 = arith.addi %mul3A_6, %add3A_65 : i32
    %dma_start3A_67 = arith.constant 0 : i32
    %dma_start3A_68 = tpu.memref_slice %arg10[%dma_start3A_67] : memref<144xf32, #tpu.memory_space<vmem>> -> memref<128xf32, #tpu.memory_space<vmem>>
    %dma_start3A_69 = tpu.memref_slice %arg5[%add3A_66] : memref<640000xf32, #tpu.memory_space<hbm>> -> memref<128xf32, #tpu.memory_space<hbm>>
    %dma_start3A_70 = arith.constant 0 : i32
    %dma_start3A_71 = tpu.memref_slice %arg10[%dma_start3A_70] : memref<144xf32, #tpu.memory_space<vmem>> -> memref<128xf32, #tpu.memory_space<vmem>>
    %dma_start3A_72 = tpu.memref_slice %arg5[%add3A_66] : memref<640000xf32, #tpu.memory_space<hbm>> -> memref<128xf32, #tpu.memory_space<hbm>>
    tpu.enqueue_dma source(%dma_start3A_72 : memref<128xf32, #tpu.memory_space<hbm>>) target(%dma_start3A_71 : memref<128xf32, #tpu.memory_space<vmem>>) target_semaphore(%arg26 : memref<!tpu.dma_semaphore, #tpu.memory_space<semaphore_mem>>)
    %add3A_73 = arith.constant 0 : i32
    %add3A_74 = arith.addi %mul3A_6, %add3A_73 : i32
    %dma_start3A_75 = tpu.memref_slice %arg3[%add3A_74] : memref<640000xi32, #tpu.memory_space<hbm>> -> memref<128xi32, #tpu.memory_space<hbm>>
    %dma_start3A_76 = tpu.memref_slice %arg3[%add3A_74] : memref<640000xi32, #tpu.memory_space<hbm>> -> memref<128xi32, #tpu.memory_space<hbm>>
    tpu.enqueue_dma source(%dma_start3A_76 : memref<128xi32, #tpu.memory_space<hbm>>) target(%arg13 : memref<128xi32, #tpu.memory_space<vmem>>) target_semaphore(%arg29 : memref<!tpu.dma_semaphore, #tpu.memory_space<semaphore_mem>>)
    %dma_start3A_77 = arith.constant 0 : i32
    %dma_start3A_78 = arith.constant 0 : i32
    %dma_start3A_79 = tpu.memref_slice %arg16[%dma_start3A_77, %dma_start3A_78] : memref<128x128xf32, #tpu.memory_space<vmem>> -> memref<64x128xf32, #tpu.memory_space<vmem>>
    %dma_start3A_80 = arith.constant 0 : i32
    %dma_start3A_81 = tpu.memref_slice %arg7[%dma_start3A_80] : memref<128xi32, #tpu.memory_space<vmem>> -> memref<64xi32, #tpu.memory_space<vmem>>
    %dma_start3A_82 = arith.constant 0 : i32
    %dma_start3A_83 = arith.constant 0 : i32
    %dma_start3A_84 = tpu.memref_slice %arg2[%dma_start3A_82, %dma_start3A_83] : memref<320000x128xf32, #tpu.memory_space<hbm>> -> memref<320000x128xf32, #tpu.memory_space<hbm>>
    tpu.enqueue_indirect_dma source(%dma_start3A_84 : memref<320000x128xf32, #tpu.memory_space<hbm>>) target(%dma_start3A_79 : memref<64x128xf32, #tpu.memory_space<vmem>>) offsets(%dma_start3A_81 : memref<64xi32, #tpu.memory_space<vmem>>) semaphore(%arg20 : memref<!tpu.dma_semaphore, #tpu.memory_space<semaphore_mem>>)
    %dma_start3A_85 = arith.constant 64 : i32
    %dma_start3A_86 = arith.constant 0 : i32
    %dma_start3A_87 = tpu.memref_slice %arg16[%dma_start3A_85, %dma_start3A_86] : memref<128x128xf32, #tpu.memory_space<vmem>> -> memref<64x128xf32, #tpu.memory_space<vmem>>
    %dma_start3A_88 = arith.constant 64 : i32
    %dma_start3A_89 = tpu.memref_slice %arg7[%dma_start3A_88] : memref<128xi32, #tpu.memory_space<vmem>> -> memref<64xi32, #tpu.memory_space<vmem>>
    %dma_start3A_90 = arith.constant 0 : i32
    %dma_start3A_91 = arith.constant 0 : i32
    %dma_start3A_92 = tpu.memref_slice %arg2[%dma_start3A_90, %dma_start3A_91] : memref<320000x128xf32, #tpu.memory_space<hbm>> -> memref<320000x128xf32, #tpu.memory_space<hbm>>
    tpu.enqueue_indirect_dma source(%dma_start3A_92 : memref<320000x128xf32, #tpu.memory_space<hbm>>) target(%dma_start3A_87 : memref<64x128xf32, #tpu.memory_space<vmem>>) offsets(%dma_start3A_89 : memref<64xi32, #tpu.memory_space<vmem>>) semaphore(%arg20 : memref<!tpu.dma_semaphore, #tpu.memory_space<semaphore_mem>>)
    %add3A_93 = arith.constant 128 : i32
    %add3A_94 = arith.addi %mul3A_6, %add3A_93 : i32
    "tpu.region"() ({
      %run_scoped3A = tpu.sem_alloc : memref<!tpu.dma_semaphore, #tpu.memory_space<semaphore_mem>>
      %dma_start3A_202 = tpu.memref_slice %arg4[%add3A_94] : memref<640000xi32, #tpu.memory_space<hbm>> -> memref<128xi32, #tpu.memory_space<hbm>>
      %dma_start3A_203 = tpu.memref_slice %arg4[%add3A_94] : memref<640000xi32, #tpu.memory_space<hbm>> -> memref<128xi32, #tpu.memory_space<hbm>>
      tpu.enqueue_dma source(%dma_start3A_203 : memref<128xi32, #tpu.memory_space<hbm>>) target(%arg8 : memref<128xi32, #tpu.memory_space<vmem>>) target_semaphore(%run_scoped3A : memref<!tpu.dma_semaphore, #tpu.memory_space<semaphore_mem>>)
      %dma_wait3A_204 = tpu.memref_slice %arg4[%add3A_94] : memref<640000xi32, #tpu.memory_space<hbm>> -> memref<128xi32, #tpu.memory_space<hbm>>
      %dma_wait3A_205 = tpu.memref_slice %arg4[%add3A_94] : memref<640000xi32, #tpu.memory_space<hbm>> -> memref<128xi32, #tpu.memory_space<hbm>>
      tpu.wait_dma2 semaphore(%run_scoped3A : memref<!tpu.dma_semaphore, #tpu.memory_space<semaphore_mem>>) src(%dma_wait3A_205 : memref<128xi32, #tpu.memory_space<hbm>>) dst(%arg8 : memref<128xi32, #tpu.memory_space<vmem>>)
      tpu.yield
    }) : () -> ()
    %add3A_95 = arith.constant 128 : i32
    %add3A_96 = arith.addi %mul3A_6, %add3A_95 : i32
    %dma_start3A_97 = arith.constant 0 : i32
    %dma_start3A_98 = tpu.memref_slice %arg11[%dma_start3A_97] : memref<144xf32, #tpu.memory_space<vmem>> -> memref<128xf32, #tpu.memory_space<vmem>>
    %dma_start3A_99 = tpu.memref_slice %arg5[%add3A_96] : memref<640000xf32, #tpu.memory_space<hbm>> -> memref<128xf32, #tpu.memory_space<hbm>>
    %dma_start3A_100 = arith.constant 0 : i32
    %dma_start3A_101 = tpu.memref_slice %arg11[%dma_start3A_100] : memref<144xf32, #tpu.memory_space<vmem>> -> memref<128xf32, #tpu.memory_space<vmem>>
    %dma_start3A_102 = tpu.memref_slice %arg5[%add3A_96] : memref<640000xf32, #tpu.memory_space<hbm>> -> memref<128xf32, #tpu.memory_space<hbm>>
    tpu.enqueue_dma source(%dma_start3A_102 : memref<128xf32, #tpu.memory_space<hbm>>) target(%dma_start3A_101 : memref<128xf32, #tpu.memory_space<vmem>>) target_semaphore(%arg27 : memref<!tpu.dma_semaphore, #tpu.memory_space<semaphore_mem>>)
    %add3A_103 = arith.constant 128 : i32
    %add3A_104 = arith.addi %mul3A_6, %add3A_103 : i32
    %dma_start3A_105 = tpu.memref_slice %arg3[%add3A_104] : memref<640000xi32, #tpu.memory_space<hbm>> -> memref<128xi32, #tpu.memory_space<hbm>>
    %dma_start3A_106 = tpu.memref_slice %arg3[%add3A_104] : memref<640000xi32, #tpu.memory_space<hbm>> -> memref<128xi32, #tpu.memory_space<hbm>>
    tpu.enqueue_dma source(%dma_start3A_106 : memref<128xi32, #tpu.memory_space<hbm>>) target(%arg14 : memref<128xi32, #tpu.memory_space<vmem>>) target_semaphore(%arg30 : memref<!tpu.dma_semaphore, #tpu.memory_space<semaphore_mem>>)
    %dma_start3A_107 = arith.constant 0 : i32
    %dma_start3A_108 = arith.constant 0 : i32
    %dma_start3A_109 = tpu.memref_slice %arg17[%dma_start3A_107, %dma_start3A_108] : memref<128x128xf32, #tpu.memory_space<vmem>> -> memref<64x128xf32, #tpu.memory_space<vmem>>
    %dma_start3A_110 = arith.constant 0 : i32
    %dma_start3A_111 = tpu.memref_slice %arg8[%dma_start3A_110] : memref<128xi32, #tpu.memory_space<vmem>> -> memref<64xi32, #tpu.memory_space<vmem>>
    %dma_start3A_112 = arith.constant 0 : i32
    %dma_start3A_113 = arith.constant 0 : i32
    %dma_start3A_114 = tpu.memref_slice %arg2[%dma_start3A_112, %dma_start3A_113] : memref<320000x128xf32, #tpu.memory_space<hbm>> -> memref<320000x128xf32, #tpu.memory_space<hbm>>
    tpu.enqueue_indirect_dma source(%dma_start3A_114 : memref<320000x128xf32, #tpu.memory_space<hbm>>) target(%dma_start3A_109 : memref<64x128xf32, #tpu.memory_space<vmem>>) offsets(%dma_start3A_111 : memref<64xi32, #tpu.memory_space<vmem>>) semaphore(%arg21 : memref<!tpu.dma_semaphore, #tpu.memory_space<semaphore_mem>>)
    %dma_start3A_115 = arith.constant 64 : i32
    %dma_start3A_116 = arith.constant 0 : i32
    %dma_start3A_117 = tpu.memref_slice %arg17[%dma_start3A_115, %dma_start3A_116] : memref<128x128xf32, #tpu.memory_space<vmem>> -> memref<64x128xf32, #tpu.memory_space<vmem>>
    %dma_start3A_118 = arith.constant 64 : i32
    %dma_start3A_119 = tpu.memref_slice %arg8[%dma_start3A_118] : memref<128xi32, #tpu.memory_space<vmem>> -> memref<64xi32, #tpu.memory_space<vmem>>
    %dma_start3A_120 = arith.constant 0 : i32
    %dma_start3A_121 = arith.constant 0 : i32
    %dma_start3A_122 = tpu.memref_slice %arg2[%dma_start3A_120, %dma_start3A_121] : memref<320000x128xf32, #tpu.memory_space<hbm>> -> memref<320000x128xf32, #tpu.memory_space<hbm>>
    tpu.enqueue_indirect_dma source(%dma_start3A_122 : memref<320000x128xf32, #tpu.memory_space<hbm>>) target(%dma_start3A_117 : memref<64x128xf32, #tpu.memory_space<vmem>>) offsets(%dma_start3A_119 : memref<64xi32, #tpu.memory_space<vmem>>) semaphore(%arg21 : memref<!tpu.dma_semaphore, #tpu.memory_space<semaphore_mem>>)
    %scan3A = arith.constant 0 : i32
    %scan3A_123 = arith.constant 0 : i32
    %scan3A_124 = arith.constant 52 : i32
    %scan3A_125 = arith.addi %scan3A_123, %scan3A_124 : i32
    %scan3A_126 = arith.constant 1 : i32
    %scan3A_127 = scf.for %scan3A_202 = %scan3A_123 to %scan3A_125 step %scan3A_126 iter_args(%scan3A_203 = %scan3A) -> (i32)  : i32 {
      %mul3A_204 = arith.constant 3 : i32
      %mul3A_205 = arith.muli %mul3A_204, %scan3A_202 : i32
      %add3A_206 = arith.constant 0 : i32
      %add3A_207 = arith.addi %mul3A_205, %add3A_206 : i32
      %sub3A = arith.constant 2 : i32
      %sub3A_208 = arith.subi %add3A_10, %sub3A : i32
      %lt3A_209 = arith.cmpi slt, %add3A_207, %sub3A_208 : i32
      %dma_wait3A_210 = arith.constant 0 : i32
      %dma_wait3A_211 = arith.constant 0 : i32
      %dma_wait3A_212 = tpu.memref_slice %arg2[%dma_wait3A_210, %dma_wait3A_211] : memref<320000x128xf32, #tpu.memory_space<hbm>> -> memref<320000x128xf32, #tpu.memory_space<hbm>>
      tpu.wait_indirect_dma semaphore(%arg20 : memref<!tpu.dma_semaphore, #tpu.memory_space<semaphore_mem>>) src(%dma_wait3A_212 : memref<320000x128xf32, #tpu.memory_space<hbm>>) dst(%arg16 : memref<128x128xf32, #tpu.memory_space<vmem>>)
      %convert_element_type3A_213 = arith.extui %lt3A_209 : i1 to i32
      %cond3A_214 = arith.constant 0 : i32
      %cond3A_215 = arith.cmpi ne, %convert_element_type3A_213, %cond3A_214 : i32
      scf.if %cond3A_215 {
        %add3A_322 = arith.constant 2 : i32
        %add3A_323 = arith.addi %add3A_207, %add3A_322 : i32
        %mul3A_324 = arith.constant 128 : i32
        %mul3A_325 = arith.muli %add3A_323, %mul3A_324 : i32
        %add3A_326 = arith.addi %mul3A_6, %mul3A_325 : i32
        %dma_start3A_327 = tpu.memref_slice %arg4[%add3A_326] : memref<640000xi32, #tpu.memory_space<hbm>> -> memref<128xi32, #tpu.memory_space<hbm>>
        %dma_start3A_328 = tpu.memref_slice %arg4[%add3A_326] : memref<640000xi32, #tpu.memory_space<hbm>> -> memref<128xi32, #tpu.memory_space<hbm>>
        tpu.enqueue_dma source(%dma_start3A_328 : memref<128xi32, #tpu.memory_space<hbm>>) target(%arg9 : memref<128xi32, #tpu.memory_space<vmem>>) target_semaphore(%arg25 : memref<!tpu.dma_semaphore, #tpu.memory_space<semaphore_mem>>)
        %mul3A_329 = arith.constant 128 : i32
        %mul3A_330 = arith.muli %add3A_323, %mul3A_329 : i32
        %add3A_331 = arith.addi %mul3A_6, %mul3A_330 : i32
        %dma_start3A_332 = arith.constant 0 : i32
        %dma_start3A_333 = tpu.memref_slice %arg12[%dma_start3A_332] : memref<144xf32, #tpu.memory_space<vmem>> -> memref<128xf32, #tpu.memory_space<vmem>>
        %dma_start3A_334 = tpu.memref_slice %arg5[%add3A_331] : memref<640000xf32, #tpu.memory_space<hbm>> -> memref<128xf32, #tpu.memory_space<hbm>>
        %dma_start3A_335 = arith.constant 0 : i32
        %dma_start3A_336 = tpu.memref_slice %arg12[%dma_start3A_335] : memref<144xf32, #tpu.memory_space<vmem>> -> memref<128xf32, #tpu.memory_space<vmem>>
        %dma_start3A_337 = tpu.memref_slice %arg5[%add3A_331] : memref<640000xf32, #tpu.memory_space<hbm>> -> memref<128xf32, #tpu.memory_space<hbm>>
        tpu.enqueue_dma source(%dma_start3A_337 : memref<128xf32, #tpu.memory_space<hbm>>) target(%dma_start3A_336 : memref<128xf32, #tpu.memory_space<vmem>>) target_semaphore(%arg28 : memref<!tpu.dma_semaphore, #tpu.memory_space<semaphore_mem>>)
      } else {
      }
      %dma_wait3A_216 = arith.constant 0 : i32
      %dma_wait3A_217 = tpu.memref_slice %arg10[%dma_wait3A_216] : memref<144xf32, #tpu.memory_space<vmem>> -> memref<128xf32, #tpu.memory_space<vmem>>
      %dma_wait3A_218 = arith.constant 0 : i32
      %dma_wait3A_219 = tpu.memref_slice %arg5[%dma_wait3A_218] : memref<640000xf32, #tpu.memory_space<hbm>> -> memref<128xf32, #tpu.memory_space<hbm>>
      %dma_wait3A_220 = arith.constant 0 : i32
      %dma_wait3A_221 = tpu.memref_slice %arg10[%dma_wait3A_220] : memref<144xf32, #tpu.memory_space<vmem>> -> memref<128xf32, #tpu.memory_space<vmem>>
      %dma_wait3A_222 = arith.constant 0 : i32
      %dma_wait3A_223 = tpu.memref_slice %arg5[%dma_wait3A_222] : memref<640000xf32, #tpu.memory_space<hbm>> -> memref<128xf32, #tpu.memory_space<hbm>>
      tpu.wait_dma2 semaphore(%arg26 : memref<!tpu.dma_semaphore, #tpu.memory_space<semaphore_mem>>) src(%dma_wait3A_223 : memref<128xf32, #tpu.memory_space<hbm>>) dst(%dma_wait3A_221 : memref<128xf32, #tpu.memory_space<vmem>>)
      %parallel_loop3A_224 = arith.constant 0 : i32
      %parallel_loop3A_225 = arith.constant 128 : i32
      %parallel_loop3A_226 = arith.constant 1 : i32
      scf.for %parallel_loop3A_322 = %parallel_loop3A_224 to %parallel_loop3A_225 step %parallel_loop3A_226  : i32 {
        %parallel_loop3A_323 = arith.index_cast %parallel_loop3A_322 : i32 to index
        %parallel_loop3A_324 = tpu.vector_load %arg10[%parallel_loop3A_323] {strides = array<i32>} : memref<144xf32, #tpu.memory_space<vmem>>, vector<16xf32>,
        %parallel_loop3A_325 = vector.shape_cast %parallel_loop3A_324 : vector<16xf32> to vector<16xf32>
        %parallel_loop3A_326 = vector.extract_strided_slice %parallel_loop3A_325 {offsets = [0], sizes = [1], strides = [1]} : vector<16xf32> to vector<1xf32>
        %parallel_loop3A_327 = vector.extract %parallel_loop3A_326[0] : f32 from vector<1xf32>
        %parallel_loop3A_328 = vector.broadcast %parallel_loop3A_327 : f32 to vector<16xf32>
        %parallel_loop3A_329 = arith.index_cast %parallel_loop3A_322 : i32 to index
        %parallel_loop3A_330 = arith.constant 0 : index
        %parallel_loop3A_331 = tpu.vector_load %arg16[%parallel_loop3A_329, %parallel_loop3A_330] {strides = array<i32>} : memref<128x128xf32, #tpu.memory_space<vmem>>, vector<1x16xf32>,
        %parallel_loop3A_332 = vector.shape_cast %parallel_loop3A_331 : vector<1x16xf32> to vector<16xf32>
        %parallel_loop3A_333 = arith.mulf %parallel_loop3A_332, %parallel_loop3A_328 : vector<16xf32>
        %parallel_loop3A_334 = arith.index_cast %parallel_loop3A_322 : i32 to index
        %parallel_loop3A_335 = arith.constant 0 : index
        %parallel_loop3A_336 = tpu.vector_load %arg16[%parallel_loop3A_334, %parallel_loop3A_335] {strides = array<i32>} : memref<128x128xf32, #tpu.memory_space<vmem>>, vector<1x16xf32>,
        %parallel_loop3A_337 = vector.shape_cast %parallel_loop3A_336 : vector<1x16xf32> to vector<16xf32>
        %parallel_loop3A_338 = vector.shape_cast %parallel_loop3A_333 : vector<16xf32> to vector<1x16xf32>
        tpu.vector_store %arg16[%parallel_loop3A_334, %parallel_loop3A_335], %parallel_loop3A_338 {strides = array<i32>} : memref<128x128xf32, #tpu.memory_space<vmem>>, vector<1x16xf32>,
        %parallel_loop3A_339 = arith.index_cast %parallel_loop3A_322 : i32 to index
        %parallel_loop3A_340 = arith.constant 16 : index
        %parallel_loop3A_341 = tpu.vector_load %arg16[%parallel_loop3A_339, %parallel_loop3A_340] {strides = array<i32>} : memref<128x128xf32, #tpu.memory_space<vmem>>, vector<1x16xf32>,
        %parallel_loop3A_342 = vector.shape_cast %parallel_loop3A_341 : vector<1x16xf32> to vector<16xf32>
        %parallel_loop3A_343 = arith.mulf %parallel_loop3A_342, %parallel_loop3A_328 : vector<16xf32>
        %parallel_loop3A_344 = arith.index_cast %parallel_loop3A_322 : i32 to index
        %parallel_loop3A_345 = arith.constant 16 : index
        %parallel_loop3A_346 = tpu.vector_load %arg16[%parallel_loop3A_344, %parallel_loop3A_345] {strides = array<i32>} : memref<128x128xf32, #tpu.memory_space<vmem>>, vector<1x16xf32>,
        %parallel_loop3A_347 = vector.shape_cast %parallel_loop3A_346 : vector<1x16xf32> to vector<16xf32>
        %parallel_loop3A_348 = vector.shape_cast %parallel_loop3A_343 : vector<16xf32> to vector<1x16xf32>
        tpu.vector_store %arg16[%parallel_loop3A_344, %parallel_loop3A_345], %parallel_loop3A_348 {strides = array<i32>} : memref<128x128xf32, #tpu.memory_space<vmem>>, vector<1x16xf32>,
        %parallel_loop3A_349 = arith.index_cast %parallel_loop3A_322 : i32 to index
        %parallel_loop3A_350 = arith.constant 32 : index
        %parallel_loop3A_351 = tpu.vector_load %arg16[%parallel_loop3A_349, %parallel_loop3A_350] {strides = array<i32>} : memref<128x128xf32, #tpu.memory_space<vmem>>, vector<1x16xf32>,
        %parallel_loop3A_352 = vector.shape_cast %parallel_loop3A_351 : vector<1x16xf32> to vector<16xf32>
        %parallel_loop3A_353 = arith.mulf %parallel_loop3A_352, %parallel_loop3A_328 : vector<16xf32>
        %parallel_loop3A_354 = arith.index_cast %parallel_loop3A_322 : i32 to index
        %parallel_loop3A_355 = arith.constant 32 : index
        %parallel_loop3A_356 = tpu.vector_load %arg16[%parallel_loop3A_354, %parallel_loop3A_355] {strides = array<i32>} : memref<128x128xf32, #tpu.memory_space<vmem>>, vector<1x16xf32>,
        %parallel_loop3A_357 = vector.shape_cast %parallel_loop3A_356 : vector<1x16xf32> to vector<16xf32>
        %parallel_loop3A_358 = vector.shape_cast %parallel_loop3A_353 : vector<16xf32> to vector<1x16xf32>
        tpu.vector_store %arg16[%parallel_loop3A_354, %parallel_loop3A_355], %parallel_loop3A_358 {strides = array<i32>} : memref<128x128xf32, #tpu.memory_space<vmem>>, vector<1x16xf32>,
        %parallel_loop3A_359 = arith.index_cast %parallel_loop3A_322 : i32 to index
        %parallel_loop3A_360 = arith.constant 48 : index
        %parallel_loop3A_361 = tpu.vector_load %arg16[%parallel_loop3A_359, %parallel_loop3A_360] {strides = array<i32>} : memref<128x128xf32, #tpu.memory_space<vmem>>, vector<1x16xf32>,
        %parallel_loop3A_362 = vector.shape_cast %parallel_loop3A_361 : vector<1x16xf32> to vector<16xf32>
        %parallel_loop3A_363 = arith.mulf %parallel_loop3A_362, %parallel_loop3A_328 : vector<16xf32>
        %parallel_loop3A_364 = arith.index_cast %parallel_loop3A_322 : i32 to index
        %parallel_loop3A_365 = arith.constant 48 : index
        %parallel_loop3A_366 = tpu.vector_load %arg16[%parallel_loop3A_364, %parallel_loop3A_365] {strides = array<i32>} : memref<128x128xf32, #tpu.memory_space<vmem>>, vector<1x16xf32>,
        %parallel_loop3A_367 = vector.shape_cast %parallel_loop3A_366 : vector<1x16xf32> to vector<16xf32>
        %parallel_loop3A_368 = vector.shape_cast %parallel_loop3A_363 : vector<16xf32> to vector<1x16xf32>
        tpu.vector_store %arg16[%parallel_loop3A_364, %parallel_loop3A_365], %parallel_loop3A_368 {strides = array<i32>} : memref<128x128xf32, #tpu.memory_space<vmem>>, vector<1x16xf32>,
        %parallel_loop3A_369 = arith.index_cast %parallel_loop3A_322 : i32 to index
        %parallel_loop3A_370 = arith.constant 64 : index
        %parallel_loop3A_371 = tpu.vector_load %arg16[%parallel_loop3A_369, %parallel_loop3A_370] {strides = array<i32>} : memref<128x128xf32, #tpu.memory_space<vmem>>, vector<1x16xf32>,
        %parallel_loop3A_372 = vector.shape_cast %parallel_loop3A_371 : vector<1x16xf32> to vector<16xf32>
        %parallel_loop3A_373 = arith.mulf %parallel_loop3A_372, %parallel_loop3A_328 : vector<16xf32>
        %parallel_loop3A_374 = arith.index_cast %parallel_loop3A_322 : i32 to index
        %parallel_loop3A_375 = arith.constant 64 : index
        %parallel_loop3A_376 = tpu.vector_load %arg16[%parallel_loop3A_374, %parallel_loop3A_375] {strides = array<i32>} : memref<128x128xf32, #tpu.memory_space<vmem>>, vector<1x16xf32>,
        %parallel_loop3A_377 = vector.shape_cast %parallel_loop3A_376 : vector<1x16xf32> to vector<16xf32>
        %parallel_loop3A_378 = vector.shape_cast %parallel_loop3A_373 : vector<16xf32> to vector<1x16xf32>
        tpu.vector_store %arg16[%parallel_loop3A_374, %parallel_loop3A_375], %parallel_loop3A_378 {strides = array<i32>} : memref<128x128xf32, #tpu.memory_space<vmem>>, vector<1x16xf32>,
        %parallel_loop3A_379 = arith.index_cast %parallel_loop3A_322 : i32 to index
        %parallel_loop3A_380 = arith.constant 80 : index
        %parallel_loop3A_381 = tpu.vector_load %arg16[%parallel_loop3A_379, %parallel_loop3A_380] {strides = array<i32>} : memref<128x128xf32, #tpu.memory_space<vmem>>, vector<1x16xf32>,
        %parallel_loop3A_382 = vector.shape_cast %parallel_loop3A_381 : vector<1x16xf32> to vector<16xf32>
        %parallel_loop3A_383 = arith.mulf %parallel_loop3A_382, %parallel_loop3A_328 : vector<16xf32>
        %parallel_loop3A_384 = arith.index_cast %parallel_loop3A_322 : i32 to index
        %parallel_loop3A_385 = arith.constant 80 : index
        %parallel_loop3A_386 = tpu.vector_load %arg16[%parallel_loop3A_384, %parallel_loop3A_385] {strides = array<i32>} : memref<128x128xf32, #tpu.memory_space<vmem>>, vector<1x16xf32>,
        %parallel_loop3A_387 = vector.shape_cast %parallel_loop3A_386 : vector<1x16xf32> to vector<16xf32>
        %parallel_loop3A_388 = vector.shape_cast %parallel_loop3A_383 : vector<16xf32> to vector<1x16xf32>
        tpu.vector_store %arg16[%parallel_loop3A_384, %parallel_loop3A_385], %parallel_loop3A_388 {strides = array<i32>} : memref<128x128xf32, #tpu.memory_space<vmem>>, vector<1x16xf32>,
        %parallel_loop3A_389 = arith.index_cast %parallel_loop3A_322 : i32 to index
        %parallel_loop3A_390 = arith.constant 96 : index
        %parallel_loop3A_391 = tpu.vector_load %arg16[%parallel_loop3A_389, %parallel_loop3A_390] {strides = array<i32>} : memref<128x128xf32, #tpu.memory_space<vmem>>, vector<1x16xf32>,
        %parallel_loop3A_392 = vector.shape_cast %parallel_loop3A_391 : vector<1x16xf32> to vector<16xf32>
        %parallel_loop3A_393 = arith.mulf %parallel_loop3A_392, %parallel_loop3A_328 : vector<16xf32>
        %parallel_loop3A_394 = arith.index_cast %parallel_loop3A_322 : i32 to index
        %parallel_loop3A_395 = arith.constant 96 : index
        %parallel_loop3A_396 = tpu.vector_load %arg16[%parallel_loop3A_394, %parallel_loop3A_395] {strides = array<i32>} : memref<128x128xf32, #tpu.memory_space<vmem>>, vector<1x16xf32>,
        %parallel_loop3A_397 = vector.shape_cast %parallel_loop3A_396 : vector<1x16xf32> to vector<16xf32>
        %parallel_loop3A_398 = vector.shape_cast %parallel_loop3A_393 : vector<16xf32> to vector<1x16xf32>
        tpu.vector_store %arg16[%parallel_loop3A_394, %parallel_loop3A_395], %parallel_loop3A_398 {strides = array<i32>} : memref<128x128xf32, #tpu.memory_space<vmem>>, vector<1x16xf32>,
        %parallel_loop3A_399 = arith.index_cast %parallel_loop3A_322 : i32 to index
        %parallel_loop3A_400 = arith.constant 112 : index
        %parallel_loop3A_401 = tpu.vector_load %arg16[%parallel_loop3A_399, %parallel_loop3A_400] {strides = array<i32>} : memref<128x128xf32, #tpu.memory_space<vmem>>, vector<1x16xf32>,
        %parallel_loop3A_402 = vector.shape_cast %parallel_loop3A_401 : vector<1x16xf32> to vector<16xf32>
        %parallel_loop3A_403 = arith.mulf %parallel_loop3A_402, %parallel_loop3A_328 : vector<16xf32>
        %parallel_loop3A_404 = arith.index_cast %parallel_loop3A_322 : i32 to index
        %parallel_loop3A_405 = arith.constant 112 : index
        %parallel_loop3A_406 = tpu.vector_load %arg16[%parallel_loop3A_404, %parallel_loop3A_405] {strides = array<i32>} : memref<128x128xf32, #tpu.memory_space<vmem>>, vector<1x16xf32>,
        %parallel_loop3A_407 = vector.shape_cast %parallel_loop3A_406 : vector<1x16xf32> to vector<16xf32>
        %parallel_loop3A_408 = vector.shape_cast %parallel_loop3A_403 : vector<16xf32> to vector<1x16xf32>
        tpu.vector_store %arg16[%parallel_loop3A_404, %parallel_loop3A_405], %parallel_loop3A_408 {strides = array<i32>} : memref<128x128xf32, #tpu.memory_space<vmem>>, vector<1x16xf32>,
      } {sc.loop_unroll_factor = 4 : i64, sc.parallel_access}
      %dma_wait3A_227 = arith.constant 0 : i32
      %dma_wait3A_228 = tpu.memref_slice %arg3[%dma_wait3A_227] : memref<640000xi32, #tpu.memory_space<hbm>> -> memref<128xi32, #tpu.memory_space<hbm>>
      %dma_wait3A_229 = arith.constant 0 : i32
      %dma_wait3A_230 = tpu.memref_slice %arg3[%dma_wait3A_229] : memref<640000xi32, #tpu.memory_space<hbm>> -> memref<128xi32, #tpu.memory_space<hbm>>
      tpu.wait_dma2 semaphore(%arg29 : memref<!tpu.dma_semaphore, #tpu.memory_space<semaphore_mem>>) src(%dma_wait3A_230 : memref<128xi32, #tpu.memory_space<hbm>>) dst(%arg13 : memref<128xi32, #tpu.memory_space<vmem>>)
      %dma_start3A_231 = arith.constant 0 : i32
      %dma_start3A_232 = arith.constant 0 : i32
      %dma_start3A_233 = tpu.memref_slice %arg19[%dma_start3A_231, %dma_start3A_232] : memref<10000x128xf32, #tpu.memory_space<vmem_shared>> -> memref<10000x128xf32, #tpu.memory_space<vmem_shared>>
      tpu.enqueue_indirect_dma source(%arg16 : memref<128x128xf32, #tpu.memory_space<vmem>>) target(%dma_start3A_233 : memref<10000x128xf32, #tpu.memory_space<vmem_shared>>) offsets(%arg13 : memref<128xi32, #tpu.memory_space<vmem>>) semaphore(%arg32 : memref<!tpu.dma_semaphore, #tpu.memory_space<semaphore_mem>>) {add = true}
      %ge3A = arith.constant 1 : i32
      %ge3A_234 = arith.cmpi sge, %add3A_207, %ge3A : i32
      %and3A = arith.andi %lt3A_209, %ge3A_234 : i1
      %convert_element_type3A_235 = arith.extui %and3A : i1 to i32
      %cond3A_236 = arith.constant 0 : i32
      %cond3A_237 = arith.cmpi ne, %convert_element_type3A_235, %cond3A_236 : i32
      scf.if %cond3A_237 {
        %dma_wait3A_322 = arith.constant 0 : i32
        %dma_wait3A_323 = arith.constant 0 : i32
        %dma_wait3A_324 = tpu.memref_slice %arg19[%dma_wait3A_322, %dma_wait3A_323] : memref<10000x128xf32, #tpu.memory_space<vmem_shared>> -> memref<10000x128xf32, #tpu.memory_space<vmem_shared>>
        tpu.wait_indirect_dma semaphore(%arg34 : memref<!tpu.dma_semaphore, #tpu.memory_space<semaphore_mem>>) src(%arg18 : memref<128x128xf32, #tpu.memory_space<vmem>>) dst(%dma_wait3A_324 : memref<10000x128xf32, #tpu.memory_space<vmem_shared>>)
      } else {
      }
      %convert_element_type3A_238 = arith.extui %lt3A_209 : i1 to i32
      %cond3A_239 = arith.constant 0 : i32
      %cond3A_240 = arith.cmpi ne, %convert_element_type3A_238, %cond3A_239 : i32
      scf.if %cond3A_240 {
        %add3A_322 = arith.constant 2 : i32
        %add3A_323 = arith.addi %add3A_207, %add3A_322 : i32
        %dma_wait3A_324 = arith.constant 0 : i32
        %dma_wait3A_325 = tpu.memref_slice %arg4[%dma_wait3A_324] : memref<640000xi32, #tpu.memory_space<hbm>> -> memref<128xi32, #tpu.memory_space<hbm>>
        %dma_wait3A_326 = arith.constant 0 : i32
        %dma_wait3A_327 = tpu.memref_slice %arg4[%dma_wait3A_326] : memref<640000xi32, #tpu.memory_space<hbm>> -> memref<128xi32, #tpu.memory_space<hbm>>
        tpu.wait_dma2 semaphore(%arg25 : memref<!tpu.dma_semaphore, #tpu.memory_space<semaphore_mem>>) src(%dma_wait3A_327 : memref<128xi32, #tpu.memory_space<hbm>>) dst(%arg9 : memref<128xi32, #tpu.memory_space<vmem>>)
        %dma_start3A_328 = arith.constant 0 : i32
        %dma_start3A_329 = arith.constant 0 : i32
        %dma_start3A_330 = tpu.memref_slice %arg18[%dma_start3A_328, %dma_start3A_329] : memref<128x128xf32, #tpu.memory_space<vmem>> -> memref<64x128xf32, #tpu.memory_space<vmem>>
        %dma_start3A_331 = arith.constant 0 : i32
        %dma_start3A_332 = tpu.memref_slice %arg9[%dma_start3A_331] : memref<128xi32, #tpu.memory_space<vmem>> -> memref<64xi32, #tpu.memory_space<vmem>>
        %dma_start3A_333 = arith.constant 0 : i32
        %dma_start3A_334 = arith.constant 0 : i32
        %dma_start3A_335 = tpu.memref_slice %arg2[%dma_start3A_333, %dma_start3A_334] : memref<320000x128xf32, #tpu.memory_space<hbm>> -> memref<320000x128xf32, #tpu.memory_space<hbm>>
        tpu.enqueue_indirect_dma source(%dma_start3A_335 : memref<320000x128xf32, #tpu.memory_space<hbm>>) target(%dma_start3A_330 : memref<64x128xf32, #tpu.memory_space<vmem>>) offsets(%dma_start3A_332 : memref<64xi32, #tpu.memory_space<vmem>>) semaphore(%arg22 : memref<!tpu.dma_semaphore, #tpu.memory_space<semaphore_mem>>)
        %dma_start3A_336 = arith.constant 64 : i32
        %dma_start3A_337 = arith.constant 0 : i32
        %dma_start3A_338 = tpu.memref_slice %arg18[%dma_start3A_336, %dma_start3A_337] : memref<128x128xf32, #tpu.memory_space<vmem>> -> memref<64x128xf32, #tpu.memory_space<vmem>>
        %dma_start3A_339 = arith.constant 64 : i32
        %dma_start3A_340 = tpu.memref_slice %arg9[%dma_start3A_339] : memref<128xi32, #tpu.memory_space<vmem>> -> memref<64xi32, #tpu.memory_space<vmem>>
        %dma_start3A_341 = arith.constant 0 : i32
        %dma_start3A_342 = arith.constant 0 : i32
        %dma_start3A_343 = tpu.memref_slice %arg2[%dma_start3A_341, %dma_start3A_342] : memref<320000x128xf32, #tpu.memory_space<hbm>> -> memref<320000x128xf32, #tpu.memory_space<hbm>>
        tpu.enqueue_indirect_dma source(%dma_start3A_343 : memref<320000x128xf32, #tpu.memory_space<hbm>>) target(%dma_start3A_338 : memref<64x128xf32, #tpu.memory_space<vmem>>) offsets(%dma_start3A_340 : memref<64xi32, #tpu.memory_space<vmem>>) semaphore(%arg22 : memref<!tpu.dma_semaphore, #tpu.memory_space<semaphore_mem>>)
        %mul3A_344 = arith.constant 128 : i32
        %mul3A_345 = arith.muli %add3A_323, %mul3A_344 : i32
        %add3A_346 = arith.addi %mul3A_6, %mul3A_345 : i32
        %dma_start3A_347 = tpu.memref_slice %arg3[%add3A_346] : memref<640000xi32, #tpu.memory_space<hbm>> -> memref<128xi32, #tpu.memory_space<hbm>>
        %dma_start3A_348 = tpu.memref_slice %arg3[%add3A_346] : memref<640000xi32, #tpu.memory_space<hbm>> -> memref<128xi32, #tpu.memory_space<hbm>>
        tpu.enqueue_dma source(%dma_start3A_348 : memref<128xi32, #tpu.memory_space<hbm>>) target(%arg15 : memref<128xi32, #tpu.memory_space<vmem>>) target_semaphore(%arg31 : memref<!tpu.dma_semaphore, #tpu.memory_space<semaphore_mem>>)
      } else {
      }
      %mul3A_241 = arith.constant 3 : i32
      %mul3A_242 = arith.muli %mul3A_241, %scan3A_202 : i32
      %add3A_243 = arith.constant 1 : i32
      %add3A_244 = arith.addi %mul3A_242, %add3A_243 : i32
      %sub3A_245 = arith.constant 2 : i32
      %sub3A_246 = arith.subi %add3A_10, %sub3A_245 : i32
      %lt3A_247 = arith.cmpi slt, %add3A_244, %sub3A_246 : i32
      %dma_wait3A_248 = arith.constant 0 : i32
      %dma_wait3A_249 = arith.constant 0 : i32
      %dma_wait3A_250 = tpu.memref_slice %arg2[%dma_wait3A_248, %dma_wait3A_249] : memref<320000x128xf32, #tpu.memory_space<hbm>> -> memref<320000x128xf32, #tpu.memory_space<hbm>>
      tpu.wait_indirect_dma semaphore(%arg21 : memref<!tpu.dma_semaphore, #tpu.memory_space<semaphore_mem>>) src(%dma_wait3A_250 : memref<320000x128xf32, #tpu.memory_space<hbm>>) dst(%arg17 : memref<128x128xf32, #tpu.memory_space<vmem>>)
      %convert_element_type3A_251 = arith.extui %lt3A_247 : i1 to i32
      %cond3A_252 = arith.constant 0 : i32
      %cond3A_253 = arith.cmpi ne, %convert_element_type3A_251, %cond3A_252 : i32
      scf.if %cond3A_253 {
        %add3A_322 = arith.constant 2 : i32
        %add3A_323 = arith.addi %add3A_244, %add3A_322 : i32
        %mul3A_324 = arith.constant 128 : i32
        %mul3A_325 = arith.muli %add3A_323, %mul3A_324 : i32
        %add3A_326 = arith.addi %mul3A_6, %mul3A_325 : i32
        %dma_start3A_327 = tpu.memref_slice %arg4[%add3A_326] : memref<640000xi32, #tpu.memory_space<hbm>> -> memref<128xi32, #tpu.memory_space<hbm>>
        %dma_start3A_328 = tpu.memref_slice %arg4[%add3A_326] : memref<640000xi32, #tpu.memory_space<hbm>> -> memref<128xi32, #tpu.memory_space<hbm>>
        tpu.enqueue_dma source(%dma_start3A_328 : memref<128xi32, #tpu.memory_space<hbm>>) target(%arg7 : memref<128xi32, #tpu.memory_space<vmem>>) target_semaphore(%arg23 : memref<!tpu.dma_semaphore, #tpu.memory_space<semaphore_mem>>)
        %mul3A_329 = arith.constant 128 : i32
        %mul3A_330 = arith.muli %add3A_323, %mul3A_329 : i32
        %add3A_331 = arith.addi %mul3A_6, %mul3A_330 : i32
        %dma_start3A_332 = arith.constant 0 : i32
        %dma_start3A_333 = tpu.memref_slice %arg10[%dma_start3A_332] : memref<144xf32, #tpu.memory_space<vmem>> -> memref<128xf32, #tpu.memory_space<vmem>>
        %dma_start3A_334 = tpu.memref_slice %arg5[%add3A_331] : memref<640000xf32, #tpu.memory_space<hbm>> -> memref<128xf32, #tpu.memory_space<hbm>>
        %dma_start3A_335 = arith.constant 0 : i32
        %dma_start3A_336 = tpu.memref_slice %arg10[%dma_start3A_335] : memref<144xf32, #tpu.memory_space<vmem>> -> memref<128xf32, #tpu.memory_space<vmem>>
        %dma_start3A_337 = tpu.memref_slice %arg5[%add3A_331] : memref<640000xf32, #tpu.memory_space<hbm>> -> memref<128xf32, #tpu.memory_space<hbm>>
        tpu.enqueue_dma source(%dma_start3A_337 : memref<128xf32, #tpu.memory_space<hbm>>) target(%dma_start3A_336 : memref<128xf32, #tpu.memory_space<vmem>>) target_semaphore(%arg26 : memref<!tpu.dma_semaphore, #tpu.memory_space<semaphore_mem>>)
      } else {
      }
      %dma_wait3A_254 = arith.constant 0 : i32
      %dma_wait3A_255 = tpu.memref_slice %arg11[%dma_wait3A_254] : memref<144xf32, #tpu.memory_space<vmem>> -> memref<128xf32, #tpu.memory_space<vmem>>
      %dma_wait3A_256 = arith.constant 0 : i32
      %dma_wait3A_257 = tpu.memref_slice %arg5[%dma_wait3A_256] : memref<640000xf32, #tpu.memory_space<hbm>> -> memref<128xf32, #tpu.memory_space<hbm>>
      %dma_wait3A_258 = arith.constant 0 : i32
      %dma_wait3A_259 = tpu.memref_slice %arg11[%dma_wait3A_258] : memref<144xf32, #tpu.memory_space<vmem>> -> memref<128xf32, #tpu.memory_space<vmem>>
      %dma_wait3A_260 = arith.constant 0 : i32
      %dma_wait3A_261 = tpu.memref_slice %arg5[%dma_wait3A_260] : memref<640000xf32, #tpu.memory_space<hbm>> -> memref<128xf32, #tpu.memory_space<hbm>>
      tpu.wait_dma2 semaphore(%arg27 : memref<!tpu.dma_semaphore, #tpu.memory_space<semaphore_mem>>) src(%dma_wait3A_261 : memref<128xf32, #tpu.memory_space<hbm>>) dst(%dma_wait3A_259 : memref<128xf32, #tpu.memory_space<vmem>>)
      %parallel_loop3A_262 = arith.constant 0 : i32
      %parallel_loop3A_263 = arith.constant 128 : i32
      %parallel_loop3A_264 = arith.constant 1 : i32
      scf.for %parallel_loop3A_322 = %parallel_loop3A_262 to %parallel_loop3A_263 step %parallel_loop3A_264  : i32 {
        %parallel_loop3A_323 = arith.index_cast %parallel_loop3A_322 : i32 to index
        %parallel_loop3A_324 = tpu.vector_load %arg11[%parallel_loop3A_323] {strides = array<i32>} : memref<144xf32, #tpu.memory_space<vmem>>, vector<16xf32>,
        %parallel_loop3A_325 = vector.shape_cast %parallel_loop3A_324 : vector<16xf32> to vector<16xf32>
        %parallel_loop3A_326 = vector.extract_strided_slice %parallel_loop3A_325 {offsets = [0], sizes = [1], strides = [1]} : vector<16xf32> to vector<1xf32>
        %parallel_loop3A_327 = vector.extract %parallel_loop3A_326[0] : f32 from vector<1xf32>
        %parallel_loop3A_328 = vector.broadcast %parallel_loop3A_327 : f32 to vector<16xf32>
        %parallel_loop3A_329 = arith.index_cast %parallel_loop3A_322 : i32 to index
        %parallel_loop3A_330 = arith.constant 0 : index
        %parallel_loop3A_331 = tpu.vector_load %arg17[%parallel_loop3A_329, %parallel_loop3A_330] {strides = array<i32>} : memref<128x128xf32, #tpu.memory_space<vmem>>, vector<1x16xf32>,
        %parallel_loop3A_332 = vector.shape_cast %parallel_loop3A_331 : vector<1x16xf32> to vector<16xf32>
        %parallel_loop3A_333 = arith.mulf %parallel_loop3A_332, %parallel_loop3A_328 : vector<16xf32>
        %parallel_loop3A_334 = arith.index_cast %parallel_loop3A_322 : i32 to index
        %parallel_loop3A_335 = arith.constant 0 : index
        %parallel_loop3A_336 = tpu.vector_load %arg17[%parallel_loop3A_334, %parallel_loop3A_335] {strides = array<i32>} : memref<128x128xf32, #tpu.memory_space<vmem>>, vector<1x16xf32>,
        %parallel_loop3A_337 = vector.shape_cast %parallel_loop3A_336 : vector<1x16xf32> to vector<16xf32>
        %parallel_loop3A_338 = vector.shape_cast %parallel_loop3A_333 : vector<16xf32> to vector<1x16xf32>
        tpu.vector_store %arg17[%parallel_loop3A_334, %parallel_loop3A_335], %parallel_loop3A_338 {strides = array<i32>} : memref<128x128xf32, #tpu.memory_space<vmem>>, vector<1x16xf32>,
        %parallel_loop3A_339 = arith.index_cast %parallel_loop3A_322 : i32 to index
        %parallel_loop3A_340 = arith.constant 16 : index
        %parallel_loop3A_341 = tpu.vector_load %arg17[%parallel_loop3A_339, %parallel_loop3A_340] {strides = array<i32>} : memref<128x128xf32, #tpu.memory_space<vmem>>, vector<1x16xf32>,
        %parallel_loop3A_342 = vector.shape_cast %parallel_loop3A_341 : vector<1x16xf32> to vector<16xf32>
        %parallel_loop3A_343 = arith.mulf %parallel_loop3A_342, %parallel_loop3A_328 : vector<16xf32>
        %parallel_loop3A_344 = arith.index_cast %parallel_loop3A_322 : i32 to index
        %parallel_loop3A_345 = arith.constant 16 : index
        %parallel_loop3A_346 = tpu.vector_load %arg17[%parallel_loop3A_344, %parallel_loop3A_345] {strides = array<i32>} : memref<128x128xf32, #tpu.memory_space<vmem>>, vector<1x16xf32>,
        %parallel_loop3A_347 = vector.shape_cast %parallel_loop3A_346 : vector<1x16xf32> to vector<16xf32>
        %parallel_loop3A_348 = vector.shape_cast %parallel_loop3A_343 : vector<16xf32> to vector<1x16xf32>
        tpu.vector_store %arg17[%parallel_loop3A_344, %parallel_loop3A_345], %parallel_loop3A_348 {strides = array<i32>} : memref<128x128xf32, #tpu.memory_space<vmem>>, vector<1x16xf32>,
        %parallel_loop3A_349 = arith.index_cast %parallel_loop3A_322 : i32 to index
        %parallel_loop3A_350 = arith.constant 32 : index
        %parallel_loop3A_351 = tpu.vector_load %arg17[%parallel_loop3A_349, %parallel_loop3A_350] {strides = array<i32>} : memref<128x128xf32, #tpu.memory_space<vmem>>, vector<1x16xf32>,
        %parallel_loop3A_352 = vector.shape_cast %parallel_loop3A_351 : vector<1x16xf32> to vector<16xf32>
        %parallel_loop3A_353 = arith.mulf %parallel_loop3A_352, %parallel_loop3A_328 : vector<16xf32>
        %parallel_loop3A_354 = arith.index_cast %parallel_loop3A_322 : i32 to index
        %parallel_loop3A_355 = arith.constant 32 : index
        %parallel_loop3A_356 = tpu.vector_load %arg17[%parallel_loop3A_354, %parallel_loop3A_355] {strides = array<i32>} : memref<128x128xf32, #tpu.memory_space<vmem>>, vector<1x16xf32>,
        %parallel_loop3A_357 = vector.shape_cast %parallel_loop3A_356 : vector<1x16xf32> to vector<16xf32>
        %parallel_loop3A_358 = vector.shape_cast %parallel_loop3A_353 : vector<16xf32> to vector<1x16xf32>
        tpu.vector_store %arg17[%parallel_loop3A_354, %parallel_loop3A_355], %parallel_loop3A_358 {strides = array<i32>} : memref<128x128xf32, #tpu.memory_space<vmem>>, vector<1x16xf32>,
        %parallel_loop3A_359 = arith.index_cast %parallel_loop3A_322 : i32 to index
        %parallel_loop3A_360 = arith.constant 48 : index
        %parallel_loop3A_361 = tpu.vector_load %arg17[%parallel_loop3A_359, %parallel_loop3A_360] {strides = array<i32>} : memref<128x128xf32, #tpu.memory_space<vmem>>, vector<1x16xf32>,
        %parallel_loop3A_362 = vector.shape_cast %parallel_loop3A_361 : vector<1x16xf32> to vector<16xf32>
        %parallel_loop3A_363 = arith.mulf %parallel_loop3A_362, %parallel_loop3A_328 : vector<16xf32>
        %parallel_loop3A_364 = arith.index_cast %parallel_loop3A_322 : i32 to index
        %parallel_loop3A_365 = arith.constant 48 : index
        %parallel_loop3A_366 = tpu.vector_load %arg17[%parallel_loop3A_364, %parallel_loop3A_365] {strides = array<i32>} : memref<128x128xf32, #tpu.memory_space<vmem>>, vector<1x16xf32>,
        %parallel_loop3A_367 = vector.shape_cast %parallel_loop3A_366 : vector<1x16xf32> to vector<16xf32>
        %parallel_loop3A_368 = vector.shape_cast %parallel_loop3A_363 : vector<16xf32> to vector<1x16xf32>
        tpu.vector_store %arg17[%parallel_loop3A_364, %parallel_loop3A_365], %parallel_loop3A_368 {strides = array<i32>} : memref<128x128xf32, #tpu.memory_space<vmem>>, vector<1x16xf32>,
        %parallel_loop3A_369 = arith.index_cast %parallel_loop3A_322 : i32 to index
        %parallel_loop3A_370 = arith.constant 64 : index
        %parallel_loop3A_371 = tpu.vector_load %arg17[%parallel_loop3A_369, %parallel_loop3A_370] {strides = array<i32>} : memref<128x128xf32, #tpu.memory_space<vmem>>, vector<1x16xf32>,
        %parallel_loop3A_372 = vector.shape_cast %parallel_loop3A_371 : vector<1x16xf32> to vector<16xf32>
        %parallel_loop3A_373 = arith.mulf %parallel_loop3A_372, %parallel_loop3A_328 : vector<16xf32>
        %parallel_loop3A_374 = arith.index_cast %parallel_loop3A_322 : i32 to index
        %parallel_loop3A_375 = arith.constant 64 : index
        %parallel_loop3A_376 = tpu.vector_load %arg17[%parallel_loop3A_374, %parallel_loop3A_375] {strides = array<i32>} : memref<128x128xf32, #tpu.memory_space<vmem>>, vector<1x16xf32>,
        %parallel_loop3A_377 = vector.shape_cast %parallel_loop3A_376 : vector<1x16xf32> to vector<16xf32>
        %parallel_loop3A_378 = vector.shape_cast %parallel_loop3A_373 : vector<16xf32> to vector<1x16xf32>
        tpu.vector_store %arg17[%parallel_loop3A_374, %parallel_loop3A_375], %parallel_loop3A_378 {strides = array<i32>} : memref<128x128xf32, #tpu.memory_space<vmem>>, vector<1x16xf32>,
        %parallel_loop3A_379 = arith.index_cast %parallel_loop3A_322 : i32 to index
        %parallel_loop3A_380 = arith.constant 80 : index
        %parallel_loop3A_381 = tpu.vector_load %arg17[%parallel_loop3A_379, %parallel_loop3A_380] {strides = array<i32>} : memref<128x128xf32, #tpu.memory_space<vmem>>, vector<1x16xf32>,
        %parallel_loop3A_382 = vector.shape_cast %parallel_loop3A_381 : vector<1x16xf32> to vector<16xf32>
        %parallel_loop3A_383 = arith.mulf %parallel_loop3A_382, %parallel_loop3A_328 : vector<16xf32>
        %parallel_loop3A_384 = arith.index_cast %parallel_loop3A_322 : i32 to index
        %parallel_loop3A_385 = arith.constant 80 : index
        %parallel_loop3A_386 = tpu.vector_load %arg17[%parallel_loop3A_384, %parallel_loop3A_385] {strides = array<i32>} : memref<128x128xf32, #tpu.memory_space<vmem>>, vector<1x16xf32>,
        %parallel_loop3A_387 = vector.shape_cast %parallel_loop3A_386 : vector<1x16xf32> to vector<16xf32>
        %parallel_loop3A_388 = vector.shape_cast %parallel_loop3A_383 : vector<16xf32> to vector<1x16xf32>
        tpu.vector_store %arg17[%parallel_loop3A_384, %parallel_loop3A_385], %parallel_loop3A_388 {strides = array<i32>} : memref<128x128xf32, #tpu.memory_space<vmem>>, vector<1x16xf32>,
        %parallel_loop3A_389 = arith.index_cast %parallel_loop3A_322 : i32 to index
        %parallel_loop3A_390 = arith.constant 96 : index
        %parallel_loop3A_391 = tpu.vector_load %arg17[%parallel_loop3A_389, %parallel_loop3A_390] {strides = array<i32>} : memref<128x128xf32, #tpu.memory_space<vmem>>, vector<1x16xf32>,
        %parallel_loop3A_392 = vector.shape_cast %parallel_loop3A_391 : vector<1x16xf32> to vector<16xf32>
        %parallel_loop3A_393 = arith.mulf %parallel_loop3A_392, %parallel_loop3A_328 : vector<16xf32>
        %parallel_loop3A_394 = arith.index_cast %parallel_loop3A_322 : i32 to index
        %parallel_loop3A_395 = arith.constant 96 : index
        %parallel_loop3A_396 = tpu.vector_load %arg17[%parallel_loop3A_394, %parallel_loop3A_395] {strides = array<i32>} : memref<128x128xf32, #tpu.memory_space<vmem>>, vector<1x16xf32>,
        %parallel_loop3A_397 = vector.shape_cast %parallel_loop3A_396 : vector<1x16xf32> to vector<16xf32>
        %parallel_loop3A_398 = vector.shape_cast %parallel_loop3A_393 : vector<16xf32> to vector<1x16xf32>
        tpu.vector_store %arg17[%parallel_loop3A_394, %parallel_loop3A_395], %parallel_loop3A_398 {strides = array<i32>} : memref<128x128xf32, #tpu.memory_space<vmem>>, vector<1x16xf32>,
        %parallel_loop3A_399 = arith.index_cast %parallel_loop3A_322 : i32 to index
        %parallel_loop3A_400 = arith.constant 112 : index
        %parallel_loop3A_401 = tpu.vector_load %arg17[%parallel_loop3A_399, %parallel_loop3A_400] {strides = array<i32>} : memref<128x128xf32, #tpu.memory_space<vmem>>, vector<1x16xf32>,
        %parallel_loop3A_402 = vector.shape_cast %parallel_loop3A_401 : vector<1x16xf32> to vector<16xf32>
        %parallel_loop3A_403 = arith.mulf %parallel_loop3A_402, %parallel_loop3A_328 : vector<16xf32>
        %parallel_loop3A_404 = arith.index_cast %parallel_loop3A_322 : i32 to index
        %parallel_loop3A_405 = arith.constant 112 : index
        %parallel_loop3A_406 = tpu.vector_load %arg17[%parallel_loop3A_404, %parallel_loop3A_405] {strides = array<i32>} : memref<128x128xf32, #tpu.memory_space<vmem>>, vector<1x16xf32>,
        %parallel_loop3A_407 = vector.shape_cast %parallel_loop3A_406 : vector<1x16xf32> to vector<16xf32>
        %parallel_loop3A_408 = vector.shape_cast %parallel_loop3A_403 : vector<16xf32> to vector<1x16xf32>
        tpu.vector_store %arg17[%parallel_loop3A_404, %parallel_loop3A_405], %parallel_loop3A_408 {strides = array<i32>} : memref<128x128xf32, #tpu.memory_space<vmem>>, vector<1x16xf32>,
      } {sc.loop_unroll_factor = 4 : i64, sc.parallel_access}
      %dma_wait3A_265 = arith.constant 0 : i32
      %dma_wait3A_266 = tpu.memref_slice %arg3[%dma_wait3A_265] : memref<640000xi32, #tpu.memory_space<hbm>> -> memref<128xi32, #tpu.memory_space<hbm>>
      %dma_wait3A_267 = arith.constant 0 : i32
      %dma_wait3A_268 = tpu.memref_slice %arg3[%dma_wait3A_267] : memref<640000xi32, #tpu.memory_space<hbm>> -> memref<128xi32, #tpu.memory_space<hbm>>
      tpu.wait_dma2 semaphore(%arg30 : memref<!tpu.dma_semaphore, #tpu.memory_space<semaphore_mem>>) src(%dma_wait3A_268 : memref<128xi32, #tpu.memory_space<hbm>>) dst(%arg14 : memref<128xi32, #tpu.memory_space<vmem>>)
      %dma_start3A_269 = arith.constant 0 : i32
      %dma_start3A_270 = arith.constant 0 : i32
      %dma_start3A_271 = tpu.memref_slice %arg19[%dma_start3A_269, %dma_start3A_270] : memref<10000x128xf32, #tpu.memory_space<vmem_shared>> -> memref<10000x128xf32, #tpu.memory_space<vmem_shared>>
      tpu.enqueue_indirect_dma source(%arg17 : memref<128x128xf32, #tpu.memory_space<vmem>>) target(%dma_start3A_271 : memref<10000x128xf32, #tpu.memory_space<vmem_shared>>) offsets(%arg14 : memref<128xi32, #tpu.memory_space<vmem>>) semaphore(%arg33 : memref<!tpu.dma_semaphore, #tpu.memory_space<semaphore_mem>>) {add = true}
      %ge3A_272 = arith.constant 1 : i32
      %ge3A_273 = arith.cmpi sge, %add3A_244, %ge3A_272 : i32
      %and3A_274 = arith.andi %lt3A_247, %ge3A_273 : i1
      %convert_element_type3A_275 = arith.extui %and3A_274 : i1 to i32
      %cond3A_276 = arith.constant 0 : i32
      %cond3A_277 = arith.cmpi ne, %convert_element_type3A_275, %cond3A_276 : i32
      scf.if %cond3A_277 {
        %dma_wait3A_322 = arith.constant 0 : i32
        %dma_wait3A_323 = arith.constant 0 : i32
        %dma_wait3A_324 = tpu.memref_slice %arg19[%dma_wait3A_322, %dma_wait3A_323] : memref<10000x128xf32, #tpu.memory_space<vmem_shared>> -> memref<10000x128xf32, #tpu.memory_space<vmem_shared>>
        tpu.wait_indirect_dma semaphore(%arg32 : memref<!tpu.dma_semaphore, #tpu.memory_space<semaphore_mem>>) src(%arg16 : memref<128x128xf32, #tpu.memory_space<vmem>>) dst(%dma_wait3A_324 : memref<10000x128xf32, #tpu.memory_space<vmem_shared>>)
      } else {
      }
      %convert_element_type3A_278 = arith.extui %lt3A_247 : i1 to i32
      %cond3A_279 = arith.constant 0 : i32
      %cond3A_280 = arith.cmpi ne, %convert_element_type3A_278, %cond3A_279 : i32
      scf.if %cond3A_280 {
        %add3A_322 = arith.constant 2 : i32
        %add3A_323 = arith.addi %add3A_244, %add3A_322 : i32
        %dma_wait3A_324 = arith.constant 0 : i32
        %dma_wait3A_325 = tpu.memref_slice %arg4[%dma_wait3A_324] : memref<640000xi32, #tpu.memory_space<hbm>> -> memref<128xi32, #tpu.memory_space<hbm>>
        %dma_wait3A_326 = arith.constant 0 : i32
        %dma_wait3A_327 = tpu.memref_slice %arg4[%dma_wait3A_326] : memref<640000xi32, #tpu.memory_space<hbm>> -> memref<128xi32, #tpu.memory_space<hbm>>
        tpu.wait_dma2 semaphore(%arg23 : memref<!tpu.dma_semaphore, #tpu.memory_space<semaphore_mem>>) src(%dma_wait3A_327 : memref<128xi32, #tpu.memory_space<hbm>>) dst(%arg7 : memref<128xi32, #tpu.memory_space<vmem>>)
        %dma_start3A_328 = arith.constant 0 : i32
        %dma_start3A_329 = arith.constant 0 : i32
        %dma_start3A_330 = tpu.memref_slice %arg16[%dma_start3A_328, %dma_start3A_329] : memref<128x128xf32, #tpu.memory_space<vmem>> -> memref<64x128xf32, #tpu.memory_space<vmem>>
        %dma_start3A_331 = arith.constant 0 : i32
        %dma_start3A_332 = tpu.memref_slice %arg7[%dma_start3A_331] : memref<128xi32, #tpu.memory_space<vmem>> -> memref<64xi32, #tpu.memory_space<vmem>>
        %dma_start3A_333 = arith.constant 0 : i32
        %dma_start3A_334 = arith.constant 0 : i32
        %dma_start3A_335 = tpu.memref_slice %arg2[%dma_start3A_333, %dma_start3A_334] : memref<320000x128xf32, #tpu.memory_space<hbm>> -> memref<320000x128xf32, #tpu.memory_space<hbm>>
        tpu.enqueue_indirect_dma source(%dma_start3A_335 : memref<320000x128xf32, #tpu.memory_space<hbm>>) target(%dma_start3A_330 : memref<64x128xf32, #tpu.memory_space<vmem>>) offsets(%dma_start3A_332 : memref<64xi32, #tpu.memory_space<vmem>>) semaphore(%arg20 : memref<!tpu.dma_semaphore, #tpu.memory_space<semaphore_mem>>)
        %dma_start3A_336 = arith.constant 64 : i32
        %dma_start3A_337 = arith.constant 0 : i32
        %dma_start3A_338 = tpu.memref_slice %arg16[%dma_start3A_336, %dma_start3A_337] : memref<128x128xf32, #tpu.memory_space<vmem>> -> memref<64x128xf32, #tpu.memory_space<vmem>>
        %dma_start3A_339 = arith.constant 64 : i32
        %dma_start3A_340 = tpu.memref_slice %arg7[%dma_start3A_339] : memref<128xi32, #tpu.memory_space<vmem>> -> memref<64xi32, #tpu.memory_space<vmem>>
        %dma_start3A_341 = arith.constant 0 : i32
        %dma_start3A_342 = arith.constant 0 : i32
        %dma_start3A_343 = tpu.memref_slice %arg2[%dma_start3A_341, %dma_start3A_342] : memref<320000x128xf32, #tpu.memory_space<hbm>> -> memref<320000x128xf32, #tpu.memory_space<hbm>>
        tpu.enqueue_indirect_dma source(%dma_start3A_343 : memref<320000x128xf32, #tpu.memory_space<hbm>>) target(%dma_start3A_338 : memref<64x128xf32, #tpu.memory_space<vmem>>) offsets(%dma_start3A_340 : memref<64xi32, #tpu.memory_space<vmem>>) semaphore(%arg20 : memref<!tpu.dma_semaphore, #tpu.memory_space<semaphore_mem>>)
        %mul3A_344 = arith.constant 128 : i32
        %mul3A_345 = arith.muli %add3A_323, %mul3A_344 : i32
        %add3A_346 = arith.addi %mul3A_6, %mul3A_345 : i32
        %dma_start3A_347 = tpu.memref_slice %arg3[%add3A_346] : memref<640000xi32, #tpu.memory_space<hbm>> -> memref<128xi32, #tpu.memory_space<hbm>>
        %dma_start3A_348 = tpu.memref_slice %arg3[%add3A_346] : memref<640000xi32, #tpu.memory_space<hbm>> -> memref<128xi32, #tpu.memory_space<hbm>>
        tpu.enqueue_dma source(%dma_start3A_348 : memref<128xi32, #tpu.memory_space<hbm>>) target(%arg13 : memref<128xi32, #tpu.memory_space<vmem>>) target_semaphore(%arg29 : memref<!tpu.dma_semaphore, #tpu.memory_space<semaphore_mem>>)
      } else {
      }
      %mul3A_281 = arith.constant 3 : i32
      %mul3A_282 = arith.muli %mul3A_281, %scan3A_202 : i32
      %add3A_283 = arith.constant 2 : i32
      %add3A_284 = arith.addi %mul3A_282, %add3A_283 : i32
      %sub3A_285 = arith.constant 2 : i32
      %sub3A_286 = arith.subi %add3A_10, %sub3A_285 : i32
      %lt3A_287 = arith.cmpi slt, %add3A_284, %sub3A_286 : i32
      %dma_wait3A_288 = arith.constant 0 : i32
      %dma_wait3A_289 = arith.constant 0 : i32
      %dma_wait3A_290 = tpu.memref_slice %arg2[%dma_wait3A_288, %dma_wait3A_289] : memref<320000x128xf32, #tpu.memory_space<hbm>> -> memref<320000x128xf32, #tpu.memory_space<hbm>>
      tpu.wait_indirect_dma semaphore(%arg22 : memref<!tpu.dma_semaphore, #tpu.memory_space<semaphore_mem>>) src(%dma_wait3A_290 : memref<320000x128xf32, #tpu.memory_space<hbm>>) dst(%arg18 : memref<128x128xf32, #tpu.memory_space<vmem>>)
      %convert_element_type3A_291 = arith.extui %lt3A_287 : i1 to i32
      %cond3A_292 = arith.constant 0 : i32
      %cond3A_293 = arith.cmpi ne, %convert_element_type3A_291, %cond3A_292 : i32
      scf.if %cond3A_293 {
        %add3A_322 = arith.constant 2 : i32
        %add3A_323 = arith.addi %add3A_284, %add3A_322 : i32
        %mul3A_324 = arith.constant 128 : i32
        %mul3A_325 = arith.muli %add3A_323, %mul3A_324 : i32
        %add3A_326 = arith.addi %mul3A_6, %mul3A_325 : i32
        %dma_start3A_327 = tpu.memref_slice %arg4[%add3A_326] : memref<640000xi32, #tpu.memory_space<hbm>> -> memref<128xi32, #tpu.memory_space<hbm>>
        %dma_start3A_328 = tpu.memref_slice %arg4[%add3A_326] : memref<640000xi32, #tpu.memory_space<hbm>> -> memref<128xi32, #tpu.memory_space<hbm>>
        tpu.enqueue_dma source(%dma_start3A_328 : memref<128xi32, #tpu.memory_space<hbm>>) target(%arg8 : memref<128xi32, #tpu.memory_space<vmem>>) target_semaphore(%arg24 : memref<!tpu.dma_semaphore, #tpu.memory_space<semaphore_mem>>)
        %mul3A_329 = arith.constant 128 : i32
        %mul3A_330 = arith.muli %add3A_323, %mul3A_329 : i32
        %add3A_331 = arith.addi %mul3A_6, %mul3A_330 : i32
        %dma_start3A_332 = arith.constant 0 : i32
        %dma_start3A_333 = tpu.memref_slice %arg11[%dma_start3A_332] : memref<144xf32, #tpu.memory_space<vmem>> -> memref<128xf32, #tpu.memory_space<vmem>>
        %dma_start3A_334 = tpu.memref_slice %arg5[%add3A_331] : memref<640000xf32, #tpu.memory_space<hbm>> -> memref<128xf32, #tpu.memory_space<hbm>>
        %dma_start3A_335 = arith.constant 0 : i32
        %dma_start3A_336 = tpu.memref_slice %arg11[%dma_start3A_335] : memref<144xf32, #tpu.memory_space<vmem>> -> memref<128xf32, #tpu.memory_space<vmem>>
        %dma_start3A_337 = tpu.memref_slice %arg5[%add3A_331] : memref<640000xf32, #tpu.memory_space<hbm>> -> memref<128xf32, #tpu.memory_space<hbm>>
        tpu.enqueue_dma source(%dma_start3A_337 : memref<128xf32, #tpu.memory_space<hbm>>) target(%dma_start3A_336 : memref<128xf32, #tpu.memory_space<vmem>>) target_semaphore(%arg27 : memref<!tpu.dma_semaphore, #tpu.memory_space<semaphore_mem>>)
      } else {
      }
      %dma_wait3A_294 = arith.constant 0 : i32
      %dma_wait3A_295 = tpu.memref_slice %arg12[%dma_wait3A_294] : memref<144xf32, #tpu.memory_space<vmem>> -> memref<128xf32, #tpu.memory_space<vmem>>
      %dma_wait3A_296 = arith.constant 0 : i32
      %dma_wait3A_297 = tpu.memref_slice %arg5[%dma_wait3A_296] : memref<640000xf32, #tpu.memory_space<hbm>> -> memref<128xf32, #tpu.memory_space<hbm>>
      %dma_wait3A_298 = arith.constant 0 : i32
      %dma_wait3A_299 = tpu.memref_slice %arg12[%dma_wait3A_298] : memref<144xf32, #tpu.memory_space<vmem>> -> memref<128xf32, #tpu.memory_space<vmem>>
      %dma_wait3A_300 = arith.constant 0 : i32
      %dma_wait3A_301 = tpu.memref_slice %arg5[%dma_wait3A_300] : memref<640000xf32, #tpu.memory_space<hbm>> -> memref<128xf32, #tpu.memory_space<hbm>>
      tpu.wait_dma2 semaphore(%arg28 : memref<!tpu.dma_semaphore, #tpu.memory_space<semaphore_mem>>) src(%dma_wait3A_301 : memref<128xf32, #tpu.memory_space<hbm>>) dst(%dma_wait3A_299 : memref<128xf32, #tpu.memory_space<vmem>>)
      %parallel_loop3A_302 = arith.constant 0 : i32
      %parallel_loop3A_303 = arith.constant 128 : i32
      %parallel_loop3A_304 = arith.constant 1 : i32
      scf.for %parallel_loop3A_322 = %parallel_loop3A_302 to %parallel_loop3A_303 step %parallel_loop3A_304  : i32 {
        %parallel_loop3A_323 = arith.index_cast %parallel_loop3A_322 : i32 to index
        %parallel_loop3A_324 = tpu.vector_load %arg12[%parallel_loop3A_323] {strides = array<i32>} : memref<144xf32, #tpu.memory_space<vmem>>, vector<16xf32>,
        %parallel_loop3A_325 = vector.shape_cast %parallel_loop3A_324 : vector<16xf32> to vector<16xf32>
        %parallel_loop3A_326 = vector.extract_strided_slice %parallel_loop3A_325 {offsets = [0], sizes = [1], strides = [1]} : vector<16xf32> to vector<1xf32>
        %parallel_loop3A_327 = vector.extract %parallel_loop3A_326[0] : f32 from vector<1xf32>
        %parallel_loop3A_328 = vector.broadcast %parallel_loop3A_327 : f32 to vector<16xf32>
        %parallel_loop3A_329 = arith.index_cast %parallel_loop3A_322 : i32 to index
        %parallel_loop3A_330 = arith.constant 0 : index
        %parallel_loop3A_331 = tpu.vector_load %arg18[%parallel_loop3A_329, %parallel_loop3A_330] {strides = array<i32>} : memref<128x128xf32, #tpu.memory_space<vmem>>, vector<1x16xf32>,
        %parallel_loop3A_332 = vector.shape_cast %parallel_loop3A_331 : vector<1x16xf32> to vector<16xf32>
        %parallel_loop3A_333 = arith.mulf %parallel_loop3A_332, %parallel_loop3A_328 : vector<16xf32>
        %parallel_loop3A_334 = arith.index_cast %parallel_loop3A_322 : i32 to index
        %parallel_loop3A_335 = arith.constant 0 : index
        %parallel_loop3A_336 = tpu.vector_load %arg18[%parallel_loop3A_334, %parallel_loop3A_335] {strides = array<i32>} : memref<128x128xf32, #tpu.memory_space<vmem>>, vector<1x16xf32>,
        %parallel_loop3A_337 = vector.shape_cast %parallel_loop3A_336 : vector<1x16xf32> to vector<16xf32>
        %parallel_loop3A_338 = vector.shape_cast %parallel_loop3A_333 : vector<16xf32> to vector<1x16xf32>
        tpu.vector_store %arg18[%parallel_loop3A_334, %parallel_loop3A_335], %parallel_loop3A_338 {strides = array<i32>} : memref<128x128xf32, #tpu.memory_space<vmem>>, vector<1x16xf32>,
        %parallel_loop3A_339 = arith.index_cast %parallel_loop3A_322 : i32 to index
        %parallel_loop3A_340 = arith.constant 16 : index
        %parallel_loop3A_341 = tpu.vector_load %arg18[%parallel_loop3A_339, %parallel_loop3A_340] {strides = array<i32>} : memref<128x128xf32, #tpu.memory_space<vmem>>, vector<1x16xf32>,
        %parallel_loop3A_342 = vector.shape_cast %parallel_loop3A_341 : vector<1x16xf32> to vector<16xf32>
        %parallel_loop3A_343 = arith.mulf %parallel_loop3A_342, %parallel_loop3A_328 : vector<16xf32>
        %parallel_loop3A_344 = arith.index_cast %parallel_loop3A_322 : i32 to index
        %parallel_loop3A_345 = arith.constant 16 : index
        %parallel_loop3A_346 = tpu.vector_load %arg18[%parallel_loop3A_344, %parallel_loop3A_345] {strides = array<i32>} : memref<128x128xf32, #tpu.memory_space<vmem>>, vector<1x16xf32>,
        %parallel_loop3A_347 = vector.shape_cast %parallel_loop3A_346 : vector<1x16xf32> to vector<16xf32>
        %parallel_loop3A_348 = vector.shape_cast %parallel_loop3A_343 : vector<16xf32> to vector<1x16xf32>
        tpu.vector_store %arg18[%parallel_loop3A_344, %parallel_loop3A_345], %parallel_loop3A_348 {strides = array<i32>} : memref<128x128xf32, #tpu.memory_space<vmem>>, vector<1x16xf32>,
        %parallel_loop3A_349 = arith.index_cast %parallel_loop3A_322 : i32 to index
        %parallel_loop3A_350 = arith.constant 32 : index
        %parallel_loop3A_351 = tpu.vector_load %arg18[%parallel_loop3A_349, %parallel_loop3A_350] {strides = array<i32>} : memref<128x128xf32, #tpu.memory_space<vmem>>, vector<1x16xf32>,
        %parallel_loop3A_352 = vector.shape_cast %parallel_loop3A_351 : vector<1x16xf32> to vector<16xf32>
        %parallel_loop3A_353 = arith.mulf %parallel_loop3A_352, %parallel_loop3A_328 : vector<16xf32>
        %parallel_loop3A_354 = arith.index_cast %parallel_loop3A_322 : i32 to index
        %parallel_loop3A_355 = arith.constant 32 : index
        %parallel_loop3A_356 = tpu.vector_load %arg18[%parallel_loop3A_354, %parallel_loop3A_355] {strides = array<i32>} : memref<128x128xf32, #tpu.memory_space<vmem>>, vector<1x16xf32>,
        %parallel_loop3A_357 = vector.shape_cast %parallel_loop3A_356 : vector<1x16xf32> to vector<16xf32>
        %parallel_loop3A_358 = vector.shape_cast %parallel_loop3A_353 : vector<16xf32> to vector<1x16xf32>
        tpu.vector_store %arg18[%parallel_loop3A_354, %parallel_loop3A_355], %parallel_loop3A_358 {strides = array<i32>} : memref<128x128xf32, #tpu.memory_space<vmem>>, vector<1x16xf32>,
        %parallel_loop3A_359 = arith.index_cast %parallel_loop3A_322 : i32 to index
        %parallel_loop3A_360 = arith.constant 48 : index
        %parallel_loop3A_361 = tpu.vector_load %arg18[%parallel_loop3A_359, %parallel_loop3A_360] {strides = array<i32>} : memref<128x128xf32, #tpu.memory_space<vmem>>, vector<1x16xf32>,
        %parallel_loop3A_362 = vector.shape_cast %parallel_loop3A_361 : vector<1x16xf32> to vector<16xf32>
        %parallel_loop3A_363 = arith.mulf %parallel_loop3A_362, %parallel_loop3A_328 : vector<16xf32>
        %parallel_loop3A_364 = arith.index_cast %parallel_loop3A_322 : i32 to index
        %parallel_loop3A_365 = arith.constant 48 : index
        %parallel_loop3A_366 = tpu.vector_load %arg18[%parallel_loop3A_364, %parallel_loop3A_365] {strides = array<i32>} : memref<128x128xf32, #tpu.memory_space<vmem>>, vector<1x16xf32>,
        %parallel_loop3A_367 = vector.shape_cast %parallel_loop3A_366 : vector<1x16xf32> to vector<16xf32>
        %parallel_loop3A_368 = vector.shape_cast %parallel_loop3A_363 : vector<16xf32> to vector<1x16xf32>
        tpu.vector_store %arg18[%parallel_loop3A_364, %parallel_loop3A_365], %parallel_loop3A_368 {strides = array<i32>} : memref<128x128xf32, #tpu.memory_space<vmem>>, vector<1x16xf32>,
        %parallel_loop3A_369 = arith.index_cast %parallel_loop3A_322 : i32 to index
        %parallel_loop3A_370 = arith.constant 64 : index
        %parallel_loop3A_371 = tpu.vector_load %arg18[%parallel_loop3A_369, %parallel_loop3A_370] {strides = array<i32>} : memref<128x128xf32, #tpu.memory_space<vmem>>, vector<1x16xf32>,
        %parallel_loop3A_372 = vector.shape_cast %parallel_loop3A_371 : vector<1x16xf32> to vector<16xf32>
        %parallel_loop3A_373 = arith.mulf %parallel_loop3A_372, %parallel_loop3A_328 : vector<16xf32>
        %parallel_loop3A_374 = arith.index_cast %parallel_loop3A_322 : i32 to index
        %parallel_loop3A_375 = arith.constant 64 : index
        %parallel_loop3A_376 = tpu.vector_load %arg18[%parallel_loop3A_374, %parallel_loop3A_375] {strides = array<i32>} : memref<128x128xf32, #tpu.memory_space<vmem>>, vector<1x16xf32>,
        %parallel_loop3A_377 = vector.shape_cast %parallel_loop3A_376 : vector<1x16xf32> to vector<16xf32>
        %parallel_loop3A_378 = vector.shape_cast %parallel_loop3A_373 : vector<16xf32> to vector<1x16xf32>
        tpu.vector_store %arg18[%parallel_loop3A_374, %parallel_loop3A_375], %parallel_loop3A_378 {strides = array<i32>} : memref<128x128xf32, #tpu.memory_space<vmem>>, vector<1x16xf32>,
        %parallel_loop3A_379 = arith.index_cast %parallel_loop3A_322 : i32 to index
        %parallel_loop3A_380 = arith.constant 80 : index
        %parallel_loop3A_381 = tpu.vector_load %arg18[%parallel_loop3A_379, %parallel_loop3A_380] {strides = array<i32>} : memref<128x128xf32, #tpu.memory_space<vmem>>, vector<1x16xf32>,
        %parallel_loop3A_382 = vector.shape_cast %parallel_loop3A_381 : vector<1x16xf32> to vector<16xf32>
        %parallel_loop3A_383 = arith.mulf %parallel_loop3A_382, %parallel_loop3A_328 : vector<16xf32>
        %parallel_loop3A_384 = arith.index_cast %parallel_loop3A_322 : i32 to index
        %parallel_loop3A_385 = arith.constant 80 : index
        %parallel_loop3A_386 = tpu.vector_load %arg18[%parallel_loop3A_384, %parallel_loop3A_385] {strides = array<i32>} : memref<128x128xf32, #tpu.memory_space<vmem>>, vector<1x16xf32>,
        %parallel_loop3A_387 = vector.shape_cast %parallel_loop3A_386 : vector<1x16xf32> to vector<16xf32>
        %parallel_loop3A_388 = vector.shape_cast %parallel_loop3A_383 : vector<16xf32> to vector<1x16xf32>
        tpu.vector_store %arg18[%parallel_loop3A_384, %parallel_loop3A_385], %parallel_loop3A_388 {strides = array<i32>} : memref<128x128xf32, #tpu.memory_space<vmem>>, vector<1x16xf32>,
        %parallel_loop3A_389 = arith.index_cast %parallel_loop3A_322 : i32 to index
        %parallel_loop3A_390 = arith.constant 96 : index
        %parallel_loop3A_391 = tpu.vector_load %arg18[%parallel_loop3A_389, %parallel_loop3A_390] {strides = array<i32>} : memref<128x128xf32, #tpu.memory_space<vmem>>, vector<1x16xf32>,
        %parallel_loop3A_392 = vector.shape_cast %parallel_loop3A_391 : vector<1x16xf32> to vector<16xf32>
        %parallel_loop3A_393 = arith.mulf %parallel_loop3A_392, %parallel_loop3A_328 : vector<16xf32>
        %parallel_loop3A_394 = arith.index_cast %parallel_loop3A_322 : i32 to index
        %parallel_loop3A_395 = arith.constant 96 : index
        %parallel_loop3A_396 = tpu.vector_load %arg18[%parallel_loop3A_394, %parallel_loop3A_395] {strides = array<i32>} : memref<128x128xf32, #tpu.memory_space<vmem>>, vector<1x16xf32>,
        %parallel_loop3A_397 = vector.shape_cast %parallel_loop3A_396 : vector<1x16xf32> to vector<16xf32>
        %parallel_loop3A_398 = vector.shape_cast %parallel_loop3A_393 : vector<16xf32> to vector<1x16xf32>
        tpu.vector_store %arg18[%parallel_loop3A_394, %parallel_loop3A_395], %parallel_loop3A_398 {strides = array<i32>} : memref<128x128xf32, #tpu.memory_space<vmem>>, vector<1x16xf32>,
        %parallel_loop3A_399 = arith.index_cast %parallel_loop3A_322 : i32 to index
        %parallel_loop3A_400 = arith.constant 112 : index
        %parallel_loop3A_401 = tpu.vector_load %arg18[%parallel_loop3A_399, %parallel_loop3A_400] {strides = array<i32>} : memref<128x128xf32, #tpu.memory_space<vmem>>, vector<1x16xf32>,
        %parallel_loop3A_402 = vector.shape_cast %parallel_loop3A_401 : vector<1x16xf32> to vector<16xf32>
        %parallel_loop3A_403 = arith.mulf %parallel_loop3A_402, %parallel_loop3A_328 : vector<16xf32>
        %parallel_loop3A_404 = arith.index_cast %parallel_loop3A_322 : i32 to index
        %parallel_loop3A_405 = arith.constant 112 : index
        %parallel_loop3A_406 = tpu.vector_load %arg18[%parallel_loop3A_404, %parallel_loop3A_405] {strides = array<i32>} : memref<128x128xf32, #tpu.memory_space<vmem>>, vector<1x16xf32>,
        %parallel_loop3A_407 = vector.shape_cast %parallel_loop3A_406 : vector<1x16xf32> to vector<16xf32>
        %parallel_loop3A_408 = vector.shape_cast %parallel_loop3A_403 : vector<16xf32> to vector<1x16xf32>
        tpu.vector_store %arg18[%parallel_loop3A_404, %parallel_loop3A_405], %parallel_loop3A_408 {strides = array<i32>} : memref<128x128xf32, #tpu.memory_space<vmem>>, vector<1x16xf32>,
      } {sc.loop_unroll_factor = 4 : i64, sc.parallel_access}
      %dma_wait3A_305 = arith.constant 0 : i32
      %dma_wait3A_306 = tpu.memref_slice %arg3[%dma_wait3A_305] : memref<640000xi32, #tpu.memory_space<hbm>> -> memref<128xi32, #tpu.memory_space<hbm>>
      %dma_wait3A_307 = arith.constant 0 : i32
      %dma_wait3A_308 = tpu.memref_slice %arg3[%dma_wait3A_307] : memref<640000xi32, #tpu.memory_space<hbm>> -> memref<128xi32, #tpu.memory_space<hbm>>
      tpu.wait_dma2 semaphore(%arg31 : memref<!tpu.dma_semaphore, #tpu.memory_space<semaphore_mem>>) src(%dma_wait3A_308 : memref<128xi32, #tpu.memory_space<hbm>>) dst(%arg15 : memref<128xi32, #tpu.memory_space<vmem>>)
      %dma_start3A_309 = arith.constant 0 : i32
      %dma_start3A_310 = arith.constant 0 : i32
      %dma_start3A_311 = tpu.memref_slice %arg19[%dma_start3A_309, %dma_start3A_310] : memref<10000x128xf32, #tpu.memory_space<vmem_shared>> -> memref<10000x128xf32, #tpu.memory_space<vmem_shared>>
      tpu.enqueue_indirect_dma source(%arg18 : memref<128x128xf32, #tpu.memory_space<vmem>>) target(%dma_start3A_311 : memref<10000x128xf32, #tpu.memory_space<vmem_shared>>) offsets(%arg15 : memref<128xi32, #tpu.memory_space<vmem>>) semaphore(%arg34 : memref<!tpu.dma_semaphore, #tpu.memory_space<semaphore_mem>>) {add = true}
      %ge3A_312 = arith.constant 1 : i32
      %ge3A_313 = arith.cmpi sge, %add3A_284, %ge3A_312 : i32
      %and3A_314 = arith.andi %lt3A_287, %ge3A_313 : i1
      %convert_element_type3A_315 = arith.extui %and3A_314 : i1 to i32
      %cond3A_316 = arith.constant 0 : i32
      %cond3A_317 = arith.cmpi ne, %convert_element_type3A_315, %cond3A_316 : i32
      scf.if %cond3A_317 {
        %dma_wait3A_322 = arith.constant 0 : i32
        %dma_wait3A_323 = arith.constant 0 : i32
        %dma_wait3A_324 = tpu.memref_slice %arg19[%dma_wait3A_322, %dma_wait3A_323] : memref<10000x128xf32, #tpu.memory_space<vmem_shared>> -> memref<10000x128xf32, #tpu.memory_space<vmem_shared>>
        tpu.wait_indirect_dma semaphore(%arg33 : memref<!tpu.dma_semaphore, #tpu.memory_space<semaphore_mem>>) src(%arg17 : memref<128x128xf32, #tpu.memory_space<vmem>>) dst(%dma_wait3A_324 : memref<10000x128xf32, #tpu.memory_space<vmem_shared>>)
      } else {
      }
      %convert_element_type3A_318 = arith.extui %lt3A_287 : i1 to i32
      %cond3A_319 = arith.constant 0 : i32
      %cond3A_320 = arith.cmpi ne, %convert_element_type3A_318, %cond3A_319 : i32
      scf.if %cond3A_320 {
        %add3A_322 = arith.constant 2 : i32
        %add3A_323 = arith.addi %add3A_284, %add3A_322 : i32
        %dma_wait3A_324 = arith.constant 0 : i32
        %dma_wait3A_325 = tpu.memref_slice %arg4[%dma_wait3A_324] : memref<640000xi32, #tpu.memory_space<hbm>> -> memref<128xi32, #tpu.memory_space<hbm>>
        %dma_wait3A_326 = arith.constant 0 : i32
        %dma_wait3A_327 = tpu.memref_slice %arg4[%dma_wait3A_326] : memref<640000xi32, #tpu.memory_space<hbm>> -> memref<128xi32, #tpu.memory_space<hbm>>
        tpu.wait_dma2 semaphore(%arg24 : memref<!tpu.dma_semaphore, #tpu.memory_space<semaphore_mem>>) src(%dma_wait3A_327 : memref<128xi32, #tpu.memory_space<hbm>>) dst(%arg8 : memref<128xi32, #tpu.memory_space<vmem>>)
        %dma_start3A_328 = arith.constant 0 : i32
        %dma_start3A_329 = arith.constant 0 : i32
        %dma_start3A_330 = tpu.memref_slice %arg17[%dma_start3A_328, %dma_start3A_329] : memref<128x128xf32, #tpu.memory_space<vmem>> -> memref<64x128xf32, #tpu.memory_space<vmem>>
        %dma_start3A_331 = arith.constant 0 : i32
        %dma_start3A_332 = tpu.memref_slice %arg8[%dma_start3A_331] : memref<128xi32, #tpu.memory_space<vmem>> -> memref<64xi32, #tpu.memory_space<vmem>>
        %dma_start3A_333 = arith.constant 0 : i32
        %dma_start3A_334 = arith.constant 0 : i32
        %dma_start3A_335 = tpu.memref_slice %arg2[%dma_start3A_333, %dma_start3A_334] : memref<320000x128xf32, #tpu.memory_space<hbm>> -> memref<320000x128xf32, #tpu.memory_space<hbm>>
        tpu.enqueue_indirect_dma source(%dma_start3A_335 : memref<320000x128xf32, #tpu.memory_space<hbm>>) target(%dma_start3A_330 : memref<64x128xf32, #tpu.memory_space<vmem>>) offsets(%dma_start3A_332 : memref<64xi32, #tpu.memory_space<vmem>>) semaphore(%arg21 : memref<!tpu.dma_semaphore, #tpu.memory_space<semaphore_mem>>)
        %dma_start3A_336 = arith.constant 64 : i32
        %dma_start3A_337 = arith.constant 0 : i32
        %dma_start3A_338 = tpu.memref_slice %arg17[%dma_start3A_336, %dma_start3A_337] : memref<128x128xf32, #tpu.memory_space<vmem>> -> memref<64x128xf32, #tpu.memory_space<vmem>>
        %dma_start3A_339 = arith.constant 64 : i32
        %dma_start3A_340 = tpu.memref_slice %arg8[%dma_start3A_339] : memref<128xi32, #tpu.memory_space<vmem>> -> memref<64xi32, #tpu.memory_space<vmem>>
        %dma_start3A_341 = arith.constant 0 : i32
        %dma_start3A_342 = arith.constant 0 : i32
        %dma_start3A_343 = tpu.memref_slice %arg2[%dma_start3A_341, %dma_start3A_342] : memref<320000x128xf32, #tpu.memory_space<hbm>> -> memref<320000x128xf32, #tpu.memory_space<hbm>>
        tpu.enqueue_indirect_dma source(%dma_start3A_343 : memref<320000x128xf32, #tpu.memory_space<hbm>>) target(%dma_start3A_338 : memref<64x128xf32, #tpu.memory_space<vmem>>) offsets(%dma_start3A_340 : memref<64xi32, #tpu.memory_space<vmem>>) semaphore(%arg21 : memref<!tpu.dma_semaphore, #tpu.memory_space<semaphore_mem>>)
        %mul3A_344 = arith.constant 128 : i32
        %mul3A_345 = arith.muli %add3A_323, %mul3A_344 : i32
        %add3A_346 = arith.addi %mul3A_6, %mul3A_345 : i32
        %dma_start3A_347 = tpu.memref_slice %arg3[%add3A_346] : memref<640000xi32, #tpu.memory_space<hbm>> -> memref<128xi32, #tpu.memory_space<hbm>>
        %dma_start3A_348 = tpu.memref_slice %arg3[%add3A_346] : memref<640000xi32, #tpu.memory_space<hbm>> -> memref<128xi32, #tpu.memory_space<hbm>>
        tpu.enqueue_dma source(%dma_start3A_348 : memref<128xi32, #tpu.memory_space<hbm>>) target(%arg14 : memref<128xi32, #tpu.memory_space<vmem>>) target_semaphore(%arg30 : memref<!tpu.dma_semaphore, #tpu.memory_space<semaphore_mem>>)
      } else {
      }
      %scan3A_321 = arith.constant 0 : i32
      scf.yield %scan3A_321 : i32
    }
    %scan3A_128 = arith.constant 52 : i32
    %lt3A_129 = arith.constant 8 : i32
    %lt3A_130 = arith.cmpi slt, %add3A, %lt3A_129 : i32
    %convert_element_type3A = arith.extui %lt3A_130 : i1 to i32
    %cond3A = arith.constant 0 : i32
    %cond3A_131 = arith.cmpi ne, %convert_element_type3A, %cond3A : i32
    scf.if %cond3A_131 {
      %dma_wait3A_202 = arith.constant 0 : i32
      %dma_wait3A_203 = arith.constant 0 : i32
      %dma_wait3A_204 = tpu.memref_slice %arg2[%dma_wait3A_202, %dma_wait3A_203] : memref<320000x128xf32, #tpu.memory_space<hbm>> -> memref<320000x128xf32, #tpu.memory_space<hbm>>
      tpu.wait_indirect_dma semaphore(%arg20 : memref<!tpu.dma_semaphore, #tpu.memory_space<semaphore_mem>>) src(%dma_wait3A_204 : memref<320000x128xf32, #tpu.memory_space<hbm>>) dst(%arg16 : memref<128x128xf32, #tpu.memory_space<vmem>>)
      %dma_wait3A_205 = arith.constant 0 : i32
      %dma_wait3A_206 = tpu.memref_slice %arg10[%dma_wait3A_205] : memref<144xf32, #tpu.memory_space<vmem>> -> memref<128xf32, #tpu.memory_space<vmem>>
      %dma_wait3A_207 = arith.constant 0 : i32
      %dma_wait3A_208 = tpu.memref_slice %arg5[%dma_wait3A_207] : memref<640000xf32, #tpu.memory_space<hbm>> -> memref<128xf32, #tpu.memory_space<hbm>>
      %dma_wait3A_209 = arith.constant 0 : i32
      %dma_wait3A_210 = tpu.memref_slice %arg10[%dma_wait3A_209] : memref<144xf32, #tpu.memory_space<vmem>> -> memref<128xf32, #tpu.memory_space<vmem>>
      %dma_wait3A_211 = arith.constant 0 : i32
      %dma_wait3A_212 = tpu.memref_slice %arg5[%dma_wait3A_211] : memref<640000xf32, #tpu.memory_space<hbm>> -> memref<128xf32, #tpu.memory_space<hbm>>
      tpu.wait_dma2 semaphore(%arg26 : memref<!tpu.dma_semaphore, #tpu.memory_space<semaphore_mem>>) src(%dma_wait3A_212 : memref<128xf32, #tpu.memory_space<hbm>>) dst(%dma_wait3A_210 : memref<128xf32, #tpu.memory_space<vmem>>)
      %parallel_loop3A_213 = arith.constant 0 : i32
      %parallel_loop3A_214 = arith.constant 128 : i32
      %parallel_loop3A_215 = arith.constant 1 : i32
      scf.for %parallel_loop3A_223 = %parallel_loop3A_213 to %parallel_loop3A_214 step %parallel_loop3A_215  : i32 {
        %parallel_loop3A_224 = arith.index_cast %parallel_loop3A_223 : i32 to index
        %parallel_loop3A_225 = tpu.vector_load %arg10[%parallel_loop3A_224] {strides = array<i32>} : memref<144xf32, #tpu.memory_space<vmem>>, vector<16xf32>,
        %parallel_loop3A_226 = vector.shape_cast %parallel_loop3A_225 : vector<16xf32> to vector<16xf32>
        %parallel_loop3A_227 = vector.extract_strided_slice %parallel_loop3A_226 {offsets = [0], sizes = [1], strides = [1]} : vector<16xf32> to vector<1xf32>
        %parallel_loop3A_228 = vector.extract %parallel_loop3A_227[0] : f32 from vector<1xf32>
        %parallel_loop3A_229 = vector.broadcast %parallel_loop3A_228 : f32 to vector<16xf32>
        %parallel_loop3A_230 = arith.index_cast %parallel_loop3A_223 : i32 to index
        %parallel_loop3A_231 = arith.constant 0 : index
        %parallel_loop3A_232 = tpu.vector_load %arg16[%parallel_loop3A_230, %parallel_loop3A_231] {strides = array<i32>} : memref<128x128xf32, #tpu.memory_space<vmem>>, vector<1x16xf32>,
        %parallel_loop3A_233 = vector.shape_cast %parallel_loop3A_232 : vector<1x16xf32> to vector<16xf32>
        %parallel_loop3A_234 = arith.mulf %parallel_loop3A_233, %parallel_loop3A_229 : vector<16xf32>
        %parallel_loop3A_235 = arith.index_cast %parallel_loop3A_223 : i32 to index
        %parallel_loop3A_236 = arith.constant 0 : index
        %parallel_loop3A_237 = tpu.vector_load %arg16[%parallel_loop3A_235, %parallel_loop3A_236] {strides = array<i32>} : memref<128x128xf32, #tpu.memory_space<vmem>>, vector<1x16xf32>,
        %parallel_loop3A_238 = vector.shape_cast %parallel_loop3A_237 : vector<1x16xf32> to vector<16xf32>
        %parallel_loop3A_239 = vector.shape_cast %parallel_loop3A_234 : vector<16xf32> to vector<1x16xf32>
        tpu.vector_store %arg16[%parallel_loop3A_235, %parallel_loop3A_236], %parallel_loop3A_239 {strides = array<i32>} : memref<128x128xf32, #tpu.memory_space<vmem>>, vector<1x16xf32>,
        %parallel_loop3A_240 = arith.index_cast %parallel_loop3A_223 : i32 to index
        %parallel_loop3A_241 = arith.constant 16 : index
        %parallel_loop3A_242 = tpu.vector_load %arg16[%parallel_loop3A_240, %parallel_loop3A_241] {strides = array<i32>} : memref<128x128xf32, #tpu.memory_space<vmem>>, vector<1x16xf32>,
        %parallel_loop3A_243 = vector.shape_cast %parallel_loop3A_242 : vector<1x16xf32> to vector<16xf32>
        %parallel_loop3A_244 = arith.mulf %parallel_loop3A_243, %parallel_loop3A_229 : vector<16xf32>
        %parallel_loop3A_245 = arith.index_cast %parallel_loop3A_223 : i32 to index
        %parallel_loop3A_246 = arith.constant 16 : index
        %parallel_loop3A_247 = tpu.vector_load %arg16[%parallel_loop3A_245, %parallel_loop3A_246] {strides = array<i32>} : memref<128x128xf32, #tpu.memory_space<vmem>>, vector<1x16xf32>,
        %parallel_loop3A_248 = vector.shape_cast %parallel_loop3A_247 : vector<1x16xf32> to vector<16xf32>
        %parallel_loop3A_249 = vector.shape_cast %parallel_loop3A_244 : vector<16xf32> to vector<1x16xf32>
        tpu.vector_store %arg16[%parallel_loop3A_245, %parallel_loop3A_246], %parallel_loop3A_249 {strides = array<i32>} : memref<128x128xf32, #tpu.memory_space<vmem>>, vector<1x16xf32>,
        %parallel_loop3A_250 = arith.index_cast %parallel_loop3A_223 : i32 to index
        %parallel_loop3A_251 = arith.constant 32 : index
        %parallel_loop3A_252 = tpu.vector_load %arg16[%parallel_loop3A_250, %parallel_loop3A_251] {strides = array<i32>} : memref<128x128xf32, #tpu.memory_space<vmem>>, vector<1x16xf32>,
        %parallel_loop3A_253 = vector.shape_cast %parallel_loop3A_252 : vector<1x16xf32> to vector<16xf32>
        %parallel_loop3A_254 = arith.mulf %parallel_loop3A_253, %parallel_loop3A_229 : vector<16xf32>
        %parallel_loop3A_255 = arith.index_cast %parallel_loop3A_223 : i32 to index
        %parallel_loop3A_256 = arith.constant 32 : index
        %parallel_loop3A_257 = tpu.vector_load %arg16[%parallel_loop3A_255, %parallel_loop3A_256] {strides = array<i32>} : memref<128x128xf32, #tpu.memory_space<vmem>>, vector<1x16xf32>,
        %parallel_loop3A_258 = vector.shape_cast %parallel_loop3A_257 : vector<1x16xf32> to vector<16xf32>
        %parallel_loop3A_259 = vector.shape_cast %parallel_loop3A_254 : vector<16xf32> to vector<1x16xf32>
        tpu.vector_store %arg16[%parallel_loop3A_255, %parallel_loop3A_256], %parallel_loop3A_259 {strides = array<i32>} : memref<128x128xf32, #tpu.memory_space<vmem>>, vector<1x16xf32>,
        %parallel_loop3A_260 = arith.index_cast %parallel_loop3A_223 : i32 to index
        %parallel_loop3A_261 = arith.constant 48 : index
        %parallel_loop3A_262 = tpu.vector_load %arg16[%parallel_loop3A_260, %parallel_loop3A_261] {strides = array<i32>} : memref<128x128xf32, #tpu.memory_space<vmem>>, vector<1x16xf32>,
        %parallel_loop3A_263 = vector.shape_cast %parallel_loop3A_262 : vector<1x16xf32> to vector<16xf32>
        %parallel_loop3A_264 = arith.mulf %parallel_loop3A_263, %parallel_loop3A_229 : vector<16xf32>
        %parallel_loop3A_265 = arith.index_cast %parallel_loop3A_223 : i32 to index
        %parallel_loop3A_266 = arith.constant 48 : index
        %parallel_loop3A_267 = tpu.vector_load %arg16[%parallel_loop3A_265, %parallel_loop3A_266] {strides = array<i32>} : memref<128x128xf32, #tpu.memory_space<vmem>>, vector<1x16xf32>,
        %parallel_loop3A_268 = vector.shape_cast %parallel_loop3A_267 : vector<1x16xf32> to vector<16xf32>
        %parallel_loop3A_269 = vector.shape_cast %parallel_loop3A_264 : vector<16xf32> to vector<1x16xf32>
        tpu.vector_store %arg16[%parallel_loop3A_265, %parallel_loop3A_266], %parallel_loop3A_269 {strides = array<i32>} : memref<128x128xf32, #tpu.memory_space<vmem>>, vector<1x16xf32>,
        %parallel_loop3A_270 = arith.index_cast %parallel_loop3A_223 : i32 to index
        %parallel_loop3A_271 = arith.constant 64 : index
        %parallel_loop3A_272 = tpu.vector_load %arg16[%parallel_loop3A_270, %parallel_loop3A_271] {strides = array<i32>} : memref<128x128xf32, #tpu.memory_space<vmem>>, vector<1x16xf32>,
        %parallel_loop3A_273 = vector.shape_cast %parallel_loop3A_272 : vector<1x16xf32> to vector<16xf32>
        %parallel_loop3A_274 = arith.mulf %parallel_loop3A_273, %parallel_loop3A_229 : vector<16xf32>
        %parallel_loop3A_275 = arith.index_cast %parallel_loop3A_223 : i32 to index
        %parallel_loop3A_276 = arith.constant 64 : index
        %parallel_loop3A_277 = tpu.vector_load %arg16[%parallel_loop3A_275, %parallel_loop3A_276] {strides = array<i32>} : memref<128x128xf32, #tpu.memory_space<vmem>>, vector<1x16xf32>,
        %parallel_loop3A_278 = vector.shape_cast %parallel_loop3A_277 : vector<1x16xf32> to vector<16xf32>
        %parallel_loop3A_279 = vector.shape_cast %parallel_loop3A_274 : vector<16xf32> to vector<1x16xf32>
        tpu.vector_store %arg16[%parallel_loop3A_275, %parallel_loop3A_276], %parallel_loop3A_279 {strides = array<i32>} : memref<128x128xf32, #tpu.memory_space<vmem>>, vector<1x16xf32>,
        %parallel_loop3A_280 = arith.index_cast %parallel_loop3A_223 : i32 to index
        %parallel_loop3A_281 = arith.constant 80 : index
        %parallel_loop3A_282 = tpu.vector_load %arg16[%parallel_loop3A_280, %parallel_loop3A_281] {strides = array<i32>} : memref<128x128xf32, #tpu.memory_space<vmem>>, vector<1x16xf32>,
        %parallel_loop3A_283 = vector.shape_cast %parallel_loop3A_282 : vector<1x16xf32> to vector<16xf32>
        %parallel_loop3A_284 = arith.mulf %parallel_loop3A_283, %parallel_loop3A_229 : vector<16xf32>
        %parallel_loop3A_285 = arith.index_cast %parallel_loop3A_223 : i32 to index
        %parallel_loop3A_286 = arith.constant 80 : index
        %parallel_loop3A_287 = tpu.vector_load %arg16[%parallel_loop3A_285, %parallel_loop3A_286] {strides = array<i32>} : memref<128x128xf32, #tpu.memory_space<vmem>>, vector<1x16xf32>,
        %parallel_loop3A_288 = vector.shape_cast %parallel_loop3A_287 : vector<1x16xf32> to vector<16xf32>
        %parallel_loop3A_289 = vector.shape_cast %parallel_loop3A_284 : vector<16xf32> to vector<1x16xf32>
        tpu.vector_store %arg16[%parallel_loop3A_285, %parallel_loop3A_286], %parallel_loop3A_289 {strides = array<i32>} : memref<128x128xf32, #tpu.memory_space<vmem>>, vector<1x16xf32>,
        %parallel_loop3A_290 = arith.index_cast %parallel_loop3A_223 : i32 to index
        %parallel_loop3A_291 = arith.constant 96 : index
        %parallel_loop3A_292 = tpu.vector_load %arg16[%parallel_loop3A_290, %parallel_loop3A_291] {strides = array<i32>} : memref<128x128xf32, #tpu.memory_space<vmem>>, vector<1x16xf32>,
        %parallel_loop3A_293 = vector.shape_cast %parallel_loop3A_292 : vector<1x16xf32> to vector<16xf32>
        %parallel_loop3A_294 = arith.mulf %parallel_loop3A_293, %parallel_loop3A_229 : vector<16xf32>
        %parallel_loop3A_295 = arith.index_cast %parallel_loop3A_223 : i32 to index
        %parallel_loop3A_296 = arith.constant 96 : index
        %parallel_loop3A_297 = tpu.vector_load %arg16[%parallel_loop3A_295, %parallel_loop3A_296] {strides = array<i32>} : memref<128x128xf32, #tpu.memory_space<vmem>>, vector<1x16xf32>,
        %parallel_loop3A_298 = vector.shape_cast %parallel_loop3A_297 : vector<1x16xf32> to vector<16xf32>
        %parallel_loop3A_299 = vector.shape_cast %parallel_loop3A_294 : vector<16xf32> to vector<1x16xf32>
        tpu.vector_store %arg16[%parallel_loop3A_295, %parallel_loop3A_296], %parallel_loop3A_299 {strides = array<i32>} : memref<128x128xf32, #tpu.memory_space<vmem>>, vector<1x16xf32>,
        %parallel_loop3A_300 = arith.index_cast %parallel_loop3A_223 : i32 to index
        %parallel_loop3A_301 = arith.constant 112 : index
        %parallel_loop3A_302 = tpu.vector_load %arg16[%parallel_loop3A_300, %parallel_loop3A_301] {strides = array<i32>} : memref<128x128xf32, #tpu.memory_space<vmem>>, vector<1x16xf32>,
        %parallel_loop3A_303 = vector.shape_cast %parallel_loop3A_302 : vector<1x16xf32> to vector<16xf32>
        %parallel_loop3A_304 = arith.mulf %parallel_loop3A_303, %parallel_loop3A_229 : vector<16xf32>
        %parallel_loop3A_305 = arith.index_cast %parallel_loop3A_223 : i32 to index
        %parallel_loop3A_306 = arith.constant 112 : index
        %parallel_loop3A_307 = tpu.vector_load %arg16[%parallel_loop3A_305, %parallel_loop3A_306] {strides = array<i32>} : memref<128x128xf32, #tpu.memory_space<vmem>>, vector<1x16xf32>,
        %parallel_loop3A_308 = vector.shape_cast %parallel_loop3A_307 : vector<1x16xf32> to vector<16xf32>
        %parallel_loop3A_309 = vector.shape_cast %parallel_loop3A_304 : vector<16xf32> to vector<1x16xf32>
        tpu.vector_store %arg16[%parallel_loop3A_305, %parallel_loop3A_306], %parallel_loop3A_309 {strides = array<i32>} : memref<128x128xf32, #tpu.memory_space<vmem>>, vector<1x16xf32>,
      } {sc.loop_unroll_factor = 4 : i64, sc.parallel_access}
      %dma_wait3A_216 = arith.constant 0 : i32
      %dma_wait3A_217 = tpu.memref_slice %arg3[%dma_wait3A_216] : memref<640000xi32, #tpu.memory_space<hbm>> -> memref<128xi32, #tpu.memory_space<hbm>>
      %dma_wait3A_218 = arith.constant 0 : i32
      %dma_wait3A_219 = tpu.memref_slice %arg3[%dma_wait3A_218] : memref<640000xi32, #tpu.memory_space<hbm>> -> memref<128xi32, #tpu.memory_space<hbm>>
      tpu.wait_dma2 semaphore(%arg29 : memref<!tpu.dma_semaphore, #tpu.memory_space<semaphore_mem>>) src(%dma_wait3A_219 : memref<128xi32, #tpu.memory_space<hbm>>) dst(%arg13 : memref<128xi32, #tpu.memory_space<vmem>>)
      %dma_start3A_220 = arith.constant 0 : i32
      %dma_start3A_221 = arith.constant 0 : i32
      %dma_start3A_222 = tpu.memref_slice %arg19[%dma_start3A_220, %dma_start3A_221] : memref<10000x128xf32, #tpu.memory_space<vmem_shared>> -> memref<10000x128xf32, #tpu.memory_space<vmem_shared>>
      tpu.enqueue_indirect_dma source(%arg16 : memref<128x128xf32, #tpu.memory_space<vmem>>) target(%dma_start3A_222 : memref<10000x128xf32, #tpu.memory_space<vmem_shared>>) offsets(%arg13 : memref<128xi32, #tpu.memory_space<vmem>>) semaphore(%arg32 : memref<!tpu.dma_semaphore, #tpu.memory_space<semaphore_mem>>) {add = true}
    } else {
    }
    %dma_wait3A_132 = arith.constant 0 : i32
    %dma_wait3A_133 = arith.constant 0 : i32
    %dma_wait3A_134 = tpu.memref_slice %arg19[%dma_wait3A_132, %dma_wait3A_133] : memref<10000x128xf32, #tpu.memory_space<vmem_shared>> -> memref<10000x128xf32, #tpu.memory_space<vmem_shared>>
    tpu.wait_indirect_dma semaphore(%arg32 : memref<!tpu.dma_semaphore, #tpu.memory_space<semaphore_mem>>) src(%arg16 : memref<128x128xf32, #tpu.memory_space<vmem>>) dst(%dma_wait3A_134 : memref<10000x128xf32, #tpu.memory_space<vmem_shared>>)
    %dma_wait3A_135 = arith.constant 0 : i32
    %dma_wait3A_136 = arith.constant 0 : i32
    %dma_wait3A_137 = tpu.memref_slice %arg19[%dma_wait3A_135, %dma_wait3A_136] : memref<10000x128xf32, #tpu.memory_space<vmem_shared>> -> memref<10000x128xf32, #tpu.memory_space<vmem_shared>>
    tpu.wait_indirect_dma semaphore(%arg33 : memref<!tpu.dma_semaphore, #tpu.memory_space<semaphore_mem>>) src(%arg17 : memref<128x128xf32, #tpu.memory_space<vmem>>) dst(%dma_wait3A_137 : memref<10000x128xf32, #tpu.memory_space<vmem_shared>>)
    %dma_wait3A_138 = arith.constant 0 : i32
    %dma_wait3A_139 = arith.constant 0 : i32
    %dma_wait3A_140 = tpu.memref_slice %arg19[%dma_wait3A_138, %dma_wait3A_139] : memref<10000x128xf32, #tpu.memory_space<vmem_shared>> -> memref<10000x128xf32, #tpu.memory_space<vmem_shared>>
    tpu.wait_indirect_dma semaphore(%arg34 : memref<!tpu.dma_semaphore, #tpu.memory_space<semaphore_mem>>) src(%arg18 : memref<128x128xf32, #tpu.memory_space<vmem>>) dst(%dma_wait3A_140 : memref<10000x128xf32, #tpu.memory_space<vmem_shared>>)
    %barrier3A_141 = arith.constant 0 : index
    tpu.barrier barrier_id(%barrier3A_141)
    %add3A_142 = arith.constant 0 : i32
    %add3A_143 = arith.addi %mul3A_14, %add3A_142 : i32
    %dma_start3A_144 = arith.constant 0 : i32
    %dma_start3A_145 = tpu.memref_slice %arg6[%arg0, %add3A_143, %dma_start3A_144] : memref<2x10000x128xf32, #tpu.memory_space<hbm>> -> memref<1x128x128xf32, #tpu.memory_space<hbm>>
    %dma_start3A_146 = tpu.memref_squeeze %dma_start3A_145 : memref<1x128x128xf32, #tpu.memory_space<hbm>> -> memref<128x128xf32, #tpu.memory_space<hbm>>
    %dma_start3A_147 = arith.constant 0 : i32
    %dma_start3A_148 = tpu.memref_slice %arg19[%add3A_143, %dma_start3A_147] : memref<10000x128xf32, #tpu.memory_space<vmem_shared>> -> memref<128x128xf32, #tpu.memory_space<vmem_shared>>
    tpu.enqueue_dma source(%dma_start3A_148 : memref<128x128xf32, #tpu.memory_space<vmem_shared>>) target(%dma_start3A_146 : memref<128x128xf32, #tpu.memory_space<hbm>>) target_semaphore(%arg20 : memref<!tpu.dma_semaphore, #tpu.memory_space<semaphore_mem>>)
    %add3A_149 = arith.constant 128 : i32
    %add3A_150 = arith.addi %mul3A_14, %add3A_149 : i32
    %dma_start3A_151 = arith.constant 0 : i32
    %dma_start3A_152 = tpu.memref_slice %arg6[%arg0, %add3A_150, %dma_start3A_151] : memref<2x10000x128xf32, #tpu.memory_space<hbm>> -> memref<1x128x128xf32, #tpu.memory_space<hbm>>
    %dma_start3A_153 = tpu.memref_squeeze %dma_start3A_152 : memref<1x128x128xf32, #tpu.memory_space<hbm>> -> memref<128x128xf32, #tpu.memory_space<hbm>>
    %dma_start3A_154 = arith.constant 0 : i32
    %dma_start3A_155 = tpu.memref_slice %arg19[%add3A_150, %dma_start3A_154] : memref<10000x128xf32, #tpu.memory_space<vmem_shared>> -> memref<128x128xf32, #tpu.memory_space<vmem_shared>>
    tpu.enqueue_dma source(%dma_start3A_155 : memref<128x128xf32, #tpu.memory_space<vmem_shared>>) target(%dma_start3A_153 : memref<128x128xf32, #tpu.memory_space<hbm>>) target_semaphore(%arg20 : memref<!tpu.dma_semaphore, #tpu.memory_space<semaphore_mem>>)
    %add3A_156 = arith.constant 256 : i32
    %add3A_157 = arith.addi %mul3A_14, %add3A_156 : i32
    %dma_start3A_158 = arith.constant 0 : i32
    %dma_start3A_159 = tpu.memref_slice %arg6[%arg0, %add3A_157, %dma_start3A_158] : memref<2x10000x128xf32, #tpu.memory_space<hbm>> -> memref<1x128x128xf32, #tpu.memory_space<hbm>>
    %dma_start3A_160 = tpu.memref_squeeze %dma_start3A_159 : memref<1x128x128xf32, #tpu.memory_space<hbm>> -> memref<128x128xf32, #tpu.memory_space<hbm>>
    %dma_start3A_161 = arith.constant 0 : i32
    %dma_start3A_162 = tpu.memref_slice %arg19[%add3A_157, %dma_start3A_161] : memref<10000x128xf32, #tpu.memory_space<vmem_shared>> -> memref<128x128xf32, #tpu.memory_space<vmem_shared>>
    tpu.enqueue_dma source(%dma_start3A_162 : memref<128x128xf32, #tpu.memory_space<vmem_shared>>) target(%dma_start3A_160 : memref<128x128xf32, #tpu.memory_space<hbm>>) target_semaphore(%arg20 : memref<!tpu.dma_semaphore, #tpu.memory_space<semaphore_mem>>)
    %add3A_163 = arith.constant 384 : i32
    %add3A_164 = arith.addi %mul3A_14, %add3A_163 : i32
    %dma_start3A_165 = arith.constant 0 : i32
    %dma_start3A_166 = tpu.memref_slice %arg6[%arg0, %add3A_164, %dma_start3A_165] : memref<2x10000x128xf32, #tpu.memory_space<hbm>> -> memref<1x128x128xf32, #tpu.memory_space<hbm>>
    %dma_start3A_167 = tpu.memref_squeeze %dma_start3A_166 : memref<1x128x128xf32, #tpu.memory_space<hbm>> -> memref<128x128xf32, #tpu.memory_space<hbm>>
    %dma_start3A_168 = arith.constant 0 : i32
    %dma_start3A_169 = tpu.memref_slice %arg19[%add3A_164, %dma_start3A_168] : memref<10000x128xf32, #tpu.memory_space<vmem_shared>> -> memref<128x128xf32, #tpu.memory_space<vmem_shared>>
    tpu.enqueue_dma source(%dma_start3A_169 : memref<128x128xf32, #tpu.memory_space<vmem_shared>>) target(%dma_start3A_167 : memref<128x128xf32, #tpu.memory_space<hbm>>) target_semaphore(%arg20 : memref<!tpu.dma_semaphore, #tpu.memory_space<semaphore_mem>>)
    %add3A_170 = arith.constant 512 : i32
    %add3A_171 = arith.addi %mul3A_14, %add3A_170 : i32
    %dma_start3A_172 = arith.constant 0 : i32
    %dma_start3A_173 = tpu.memref_slice %arg6[%arg0, %add3A_171, %dma_start3A_172] : memref<2x10000x128xf32, #tpu.memory_space<hbm>> -> memref<1x128x128xf32, #tpu.memory_space<hbm>>
    %dma_start3A_174 = tpu.memref_squeeze %dma_start3A_173 : memref<1x128x128xf32, #tpu.memory_space<hbm>> -> memref<128x128xf32, #tpu.memory_space<hbm>>
    %dma_start3A_175 = arith.constant 0 : i32
    %dma_start3A_176 = tpu.memref_slice %arg19[%add3A_171, %dma_start3A_175] : memref<10000x128xf32, #tpu.memory_space<vmem_shared>> -> memref<128x128xf32, #tpu.memory_space<vmem_shared>>
    tpu.enqueue_dma source(%dma_start3A_176 : memref<128x128xf32, #tpu.memory_space<vmem_shared>>) target(%dma_start3A_174 : memref<128x128xf32, #tpu.memory_space<hbm>>) target_semaphore(%arg20 : memref<!tpu.dma_semaphore, #tpu.memory_space<semaphore_mem>>)
    %dma_wait3A_177 = arith.constant 0 : i32
    %dma_wait3A_178 = tpu.memref_slice %arg6[%arg0, %mul3A_14, %dma_wait3A_177] : memref<2x10000x128xf32, #tpu.memory_space<hbm>> -> memref<1x128x128xf32, #tpu.memory_space<hbm>>
    %dma_wait3A_179 = tpu.memref_squeeze %dma_wait3A_178 : memref<1x128x128xf32, #tpu.memory_space<hbm>> -> memref<128x128xf32, #tpu.memory_space<hbm>>
    %dma_wait3A_180 = arith.constant 0 : i32
    %dma_wait3A_181 = tpu.memref_slice %arg19[%mul3A_14, %dma_wait3A_180] : memref<10000x128xf32, #tpu.memory_space<vmem_shared>> -> memref<128x128xf32, #tpu.memory_space<vmem_shared>>
    tpu.wait_dma2 semaphore(%arg20 : memref<!tpu.dma_semaphore, #tpu.memory_space<semaphore_mem>>) src(%dma_wait3A_181 : memref<128x128xf32, #tpu.memory_space<vmem_shared>>) dst(%dma_wait3A_179 : memref<128x128xf32, #tpu.memory_space<hbm>>)
    %dma_wait3A_182 = arith.constant 0 : i32
    %dma_wait3A_183 = tpu.memref_slice %arg6[%arg0, %mul3A_14, %dma_wait3A_182] : memref<2x10000x128xf32, #tpu.memory_space<hbm>> -> memref<1x128x128xf32, #tpu.memory_space<hbm>>
    %dma_wait3A_184 = tpu.memref_squeeze %dma_wait3A_183 : memref<1x128x128xf32, #tpu.memory_space<hbm>> -> memref<128x128xf32, #tpu.memory_space<hbm>>
    %dma_wait3A_185 = arith.constant 0 : i32
    %dma_wait3A_186 = tpu.memref_slice %arg19[%mul3A_14, %dma_wait3A_185] : memref<10000x128xf32, #tpu.memory_space<vmem_shared>> -> memref<128x128xf32, #tpu.memory_space<vmem_shared>>
    tpu.wait_dma2 semaphore(%arg20 : memref<!tpu.dma_semaphore, #tpu.memory_space<semaphore_mem>>) src(%dma_wait3A_186 : memref<128x128xf32, #tpu.memory_space<vmem_shared>>) dst(%dma_wait3A_184 : memref<128x128xf32, #tpu.memory_space<hbm>>)
    %dma_wait3A_187 = arith.constant 0 : i32
    %dma_wait3A_188 = tpu.memref_slice %arg6[%arg0, %mul3A_14, %dma_wait3A_187] : memref<2x10000x128xf32, #tpu.memory_space<hbm>> -> memref<1x128x128xf32, #tpu.memory_space<hbm>>
    %dma_wait3A_189 = tpu.memref_squeeze %dma_wait3A_188 : memref<1x128x128xf32, #tpu.memory_space<hbm>> -> memref<128x128xf32, #tpu.memory_space<hbm>>
    %dma_wait3A_190 = arith.constant 0 : i32
    %dma_wait3A_191 = tpu.memref_slice %arg19[%mul3A_14, %dma_wait3A_190] : memref<10000x128xf32, #tpu.memory_space<vmem_shared>> -> memref<128x128xf32, #tpu.memory_space<vmem_shared>>
    tpu.wait_dma2 semaphore(%arg20 : memref<!tpu.dma_semaphore, #tpu.memory_space<semaphore_mem>>) src(%dma_wait3A_191 : memref<128x128xf32, #tpu.memory_space<vmem_shared>>) dst(%dma_wait3A_189 : memref<128x128xf32, #tpu.memory_space<hbm>>)
    %dma_wait3A_192 = arith.constant 0 : i32
    %dma_wait3A_193 = tpu.memref_slice %arg6[%arg0, %mul3A_14, %dma_wait3A_192] : memref<2x10000x128xf32, #tpu.memory_space<hbm>> -> memref<1x128x128xf32, #tpu.memory_space<hbm>>
    %dma_wait3A_194 = tpu.memref_squeeze %dma_wait3A_193 : memref<1x128x128xf32, #tpu.memory_space<hbm>> -> memref<128x128xf32, #tpu.memory_space<hbm>>
    %dma_wait3A_195 = arith.constant 0 : i32
    %dma_wait3A_196 = tpu.memref_slice %arg19[%mul3A_14, %dma_wait3A_195] : memref<10000x128xf32, #tpu.memory_space<vmem_shared>> -> memref<128x128xf32, #tpu.memory_space<vmem_shared>>
    tpu.wait_dma2 semaphore(%arg20 : memref<!tpu.dma_semaphore, #tpu.memory_space<semaphore_mem>>) src(%dma_wait3A_196 : memref<128x128xf32, #tpu.memory_space<vmem_shared>>) dst(%dma_wait3A_194 : memref<128x128xf32, #tpu.memory_space<hbm>>)
    %dma_wait3A_197 = arith.constant 0 : i32
    %dma_wait3A_198 = tpu.memref_slice %arg6[%arg0, %mul3A_14, %dma_wait3A_197] : memref<2x10000x128xf32, #tpu.memory_space<hbm>> -> memref<1x128x128xf32, #tpu.memory_space<hbm>>
    %dma_wait3A_199 = tpu.memref_squeeze %dma_wait3A_198 : memref<1x128x128xf32, #tpu.memory_space<hbm>> -> memref<128x128xf32, #tpu.memory_space<hbm>>
    %dma_wait3A_200 = arith.constant 0 : i32
    %dma_wait3A_201 = tpu.memref_slice %arg19[%mul3A_14, %dma_wait3A_200] : memref<10000x128xf32, #tpu.memory_space<vmem_shared>> -> memref<128x128xf32, #tpu.memory_space<vmem_shared>>
    tpu.wait_dma2 semaphore(%arg20 : memref<!tpu.dma_semaphore, #tpu.memory_space<semaphore_mem>>) src(%dma_wait3A_201 : memref<128x128xf32, #tpu.memory_space<vmem_shared>>) dst(%dma_wait3A_199 : memref<128x128xf32, #tpu.memory_space<hbm>>)
    return
  }
}

module attributes {stable_mosaic.version = 14 : i64} {
  func.func @_sum2_body(%arg0: i32, %arg1: memref<2x2000x128xf32, #tpu.memory_space<vmem>>, %arg2: memref<2000x128xf32, #tpu.memory_space<vmem>>) attributes {dimension_semantics = [#tpu.dimension_semantics<arbitrary>], iteration_bounds = array<i64: 5>, scalar_prefetch = 0 : i64, scratch_operands = 0 : i64, tpu.core_type = #tpu.core_type<tc>, window_params = [{transform_indices = @transform_0, window_bounds = array<i64: 2, 2000, 128>}, {transform_indices = @transform_1, window_bounds = array<i64: 2000, 128>}]} {
    %get3A = arith.constant 0 : index
    %get3A_0 = arith.constant 0 : index
    %get3A_1 = arith.constant 0 : index
    %get3A_2 = vector.load %arg1[%get3A, %get3A_0, %get3A_1] : memref<2x2000x128xf32, #tpu.memory_space<vmem>>, vector<1x2000x128xf32>
    %get3A_3 = vector.shape_cast %get3A_2 : vector<1x2000x128xf32> to vector<2000x128xf32>
    %get3A_4 = arith.constant 1 : index
    %get3A_5 = arith.constant 0 : index
    %get3A_6 = arith.constant 0 : index
    %get3A_7 = vector.load %arg1[%get3A_4, %get3A_5, %get3A_6] : memref<2x2000x128xf32, #tpu.memory_space<vmem>>, vector<1x2000x128xf32>
    %get3A_8 = vector.shape_cast %get3A_7 : vector<1x2000x128xf32> to vector<2000x128xf32>
    %add3A = arith.addf %get3A_3, %get3A_8 : vector<2000x128xf32>
    %swap3A = arith.constant 0 : index
    %swap3A_9 = arith.constant 0 : index
    %swap3A_10 = vector.load %arg2[%swap3A, %swap3A_9] : memref<2000x128xf32, #tpu.memory_space<vmem>>, vector<2000x128xf32>
    tpu.vector_store %arg2[%swap3A, %swap3A_9], %add3A {strides = array<i32>} : memref<2000x128xf32, #tpu.memory_space<vmem>>, vector<2000x128xf32>,
    return
  }
  func.func @transform_0(%arg0: i32) -> (i32, i32, i32) {
    %c0_i32 = arith.constant 0 : i32
    %c0_i32_0 = arith.constant 0 : i32
    %c0_i32_1 = arith.constant 0 : i32
    return %c0_i32, %arg0, %c0_i32_0 : i32, i32, i32
  }
  func.func @transform_1(%arg0: i32) -> (i32, i32) {
    %c0_i32 = arith.constant 0 : i32
    %c0_i32_0 = arith.constant 0 : i32
    return %arg0, %c0_i32 : i32, i32
  }
}

</mosaic_0001>

<sc_bundles>
// kernel: kernel.4.cloned.1.call-start
scs
__scs_entry_jumppad:
0x0: {  	(pc) =	sbr.rel $0x88, $3  }
0x1: {  	(tag) =	ssettag $0x0;
	lr =	simm.s32 $0x1  }
0x2: {  	[smem:$0x3F9E] =	sst lr;
	_ =	strace $0xD0000000  }
0x3: {  	_ = 	snop  }
0x4: {  	_ = 	snop  }
0x5: {  	_ = 	snop  }
0x6: {  	_ = 	snop  }
0x7: {  	_ = 	snop  }
__scs_overlays_trampoline_lowered:
0x8: {  	[smem:$0x3FAD] =	sst s0  }
0x9: {  	[smem:$0x3FAE] =	sst s1  }
0xa: {  	[smem:$0x3FAF] =	sst s2  }
0xb: {  	[smem:$0x3FB0] =	sst s3  }
0xc: {  	[smem:$0x3FB1] =	sst s4  }
0xd: {  	[smem:$0x3FB2] =	sst s5  }
0xe: {  	[smem:$0x3FB3] =	sst s6  }
0xf: {  	[smem:$0x3FB4] =	sst s7  }
0x10: {  	[smem:$0x3FB5] =	sst s8  }
0x11: {  	[smem:$0x3FB6] =	sst s9;
	s0 =	simm.s32 @!p0 $0x0  }
0x12: {  	s1 =	sld [smem:$0x3F9C];
	s0 =	simm.s32 @p0 $0x1  }
0x13: {  	[smem:$0x3FB7] =	sst s0;
	s0 =	simm.s32 @!p1 $0x0  }
0x14: {  	s2 =	sld [smem:$0x3F9B];
	s0 =	simm.s32 @p1 $0x1  }
0x15: {  	[smem:$0x3FB8] =	sst s0;
	s0 =	simm.s32 @!p2 $0x0  }
0x16: {  	s3 =	sld [smem:$0x3FDB];
	s0 =	simm.s32 @p2 $0x1  }
0x17: {  	s4 =	simm.s32 $0x1BF5;
	[smem:$0x3FBA] =	sst s0  }
0x18: {  	s0 =	sld [smem:$0x3F9D];
	_ =	swait.ge [sflag:s4], $0x0  }
0x19: {  	s7 =	sld [smem:$0x3F9E]  }
0x1a: {  	s8 =	sadd.s32 $0xFFFFE003, lr  }
0x1b: {  	s9 =	sadd.s32 $0xFFFFFEF7, lr;
	s5 =	simm.s32 $0xFFFFFFFF;
	p2 =	slt.u32 s8, $0xFFFFF086  }
0x1c: {  	p1 =	slt.u32 s9, $0xF7A;
	s5 =	simm.s32 @!p2 $0x0  }
0x1d: {  	s5 =	simm.s32 @p1 $0x1;
	p0 =	seq.s32 s7, s2  }
0x1e: {  	s7 =	smul.u32 @!p0 $0xF7A, s2;
	p2 =	seq.s32 @!p0 s5, $0x0  }
0x1f: {  	s9 =	smul.u32 $0xF7A, s1;
	s8 =	simm.s32 @!p0 $0x1BF5;
	p2 =	por !p2, p0  }
0x20: {  	[sflag:s8] =	ssyncset.s32 @!p0 $0xFFFFF086;
	s6 =	sadd.s32 @!p0 s3, s7;
	s7 =	simm.s32 @!p0 $0x108  }
0x21: {  	s3 =	sadd.s32 s3, s9;
	s6 =	sadd.s32 @!p0 $0x88, s6;
	s7 =	simm.s32 @p2 $0x1082  }
0x22: {  	[simem:s7], [sflag:s8] =	dma.local @!p0 [hbm:s6], $0xF7A  }
0x23: {  	s9 =	sor.u32 $0xD0000000, s2;
	s6 =	simm.s32 $0x108;
	_ =	swait.ge @!p0 [sflag:s8], $0x0  }
0x24: {  	s3 =	sadd.s32 $0x88, s3;
	s6 =	simm.s32 @!p1 $0x1082;
	[sflag:s4] =	ssyncset.s32 $0xFFFFF086  }
0x25: {  	[simem:s6], [sflag:s4] =	dma.local [hbm:s3], $0xF7A  }
0x26: {  	[smem:$0x3F9E] =	sst s1;
	(tag) =	ssettag s2;
	_ =	strace s9  }
0x27: {  	s1 =	sld [smem:$0x3FAE]  }
0x28: {  	s2 =	sld [smem:$0x3FAF]  }
0x29: {  	s4 =	sld [smem:$0x3FB1]  }
0x2a: {  	p0 =	seq.s32 s5, $0x0;
	s5 =	sld [smem:$0x3FB2]  }
0x2b: {  	s6 =	sld [smem:$0x3FB3]  }
0x2c: {  	s7 =	sld [smem:$0x3FB4]  }
0x2d: {  	s3 =	simm.s32 $0x108;
	s8 =	sld [smem:$0x3FB5]  }
0x2e: {  	s3 =	simm.s32 @!p0 $0x1082;
	s9 =	sld [smem:$0x3FB6]  }
0x2f: {  	lr =	sadd.s32 s0, s3;
	s0 =	sld [smem:$0x3FAD]  }
0x30: {  	s3 =	sld [smem:$0x3FB0]  }
0x31: {  	[smem:$0x3FB9] =	sst s10  }
0x32: {  	s10 =	sld [smem:$0x3FB7];
	_ =	sdelay $0x3  }
0x33: {  	p0 =	seq.s32 s10, $0x1;
	s10 =	sld [smem:$0x3FB9];
	_ =	sdelay $0x3  }
0x34: {  	[smem:$0x3FB9] =	sst s10  }
0x35: {  	s10 =	sld [smem:$0x3FB8];
	_ =	sdelay $0x3  }
0x36: {  	p1 =	seq.s32 s10, $0x1;
	s10 =	sld [smem:$0x3FB9];
	_ =	sdelay $0x3  }
0x37: {  	[smem:$0x3FB9] =	sst s10  }
0x38: {  	s10 =	sld [smem:$0x3FBA]  }
0x39: {  	_ = 	snop;
	(pc) =	sbr.ind lr, $3  }
0x3a: {  	_ = 	snop  }
0x3b: {  	_ = 	snop  }
0x3c: {  	p2 =	seq.s32 s10, $0x1;
	s10 =	sld [smem:$0x3FB9]  }
0x3d: {  	_ =	shalt  }
0x3e: {  	_ =	shalt  }
0x3f: {  	_ =	shalt  }
0x40: {  	_ =	shalt  }
0x41: {  	_ =	shalt  }
0x42: {  	_ =	shalt  }
0x43: {  	_ =	shalt  }
0x44: {  	_ =	shalt  }
0x45: {  	_ =	shalt  }
0x46: {  	_ =	shalt  }
0x47: {  	_ =	shalt  }
0x48: {  	_ =	shalt  }
0x49: {  	_ =	shalt  }
0x4a: {  	_ =	shalt  }
0x4b: {  	_ =	shalt  }
0x4c: {  	_ =	shalt  }
0x4d: {  	_ =	shalt  }
0x4e: {  	_ =	shalt  }
0x4f: {  	_ =	shalt  }
0x50: {  	_ =	shalt  }
0x51: {  	_ =	shalt  }
0x52: {  	_ =	shalt  }
0x53: {  	_ =	shalt  }
0x54: {  	_ =	shalt  }
0x55: {  	_ =	shalt  }
0x56: {  	_ =	shalt  }
0x57: {  	_ =	shalt  }
0x58: {  	_ =	shalt  }
0x59: {  	_ =	shalt  }
0x5a: {  	_ =	shalt  }
0x5b: {  	_ =	shalt  }
0x5c: {  	_ =	shalt  }
0x5d: {  	_ =	shalt  }
0x5e: {  	_ =	shalt  }
0x5f: {  	_ =	shalt  }
0x60: {  	_ =	shalt  }
0x61: {  	_ =	shalt  }
0x62: {  	_ =	shalt  }
0x63: {  	_ =	shalt  }
0x64: {  	_ =	shalt  }
0x65: {  	_ =	shalt  }
0x66: {  	_ =	shalt  }
0x67: {  	_ =	shalt  }
0x68: {  	_ =	shalt  }
0x69: {  	_ =	shalt  }
0x6a: {  	_ =	shalt  }
0x6b: {  	_ =	shalt  }
0x6c: {  	_ =	shalt  }
0x6d: {  	_ =	shalt  }
0x6e: {  	_ =	shalt  }
0x6f: {  	_ =	shalt  }
0x70: {  	_ =	shalt  }
0x71: {  	_ =	shalt  }
0x72: {  	_ =	shalt  }
0x73: {  	_ =	shalt  }
0x74: {  	_ =	shalt  }
0x75: {  	_ =	shalt  }
0x76: {  	_ =	shalt  }
0x77: {  	_ =	shalt  }
0x78: {  	_ =	shalt  }
0x79: {  	_ =	shalt  }
0x7a: {  	_ =	shalt  }
0x7b: {  	_ =	shalt  }
0x7c: {  	_ =	shalt  }
0x7d: {  	_ =	shalt  }
0x7e: {  	_ =	shalt  }
0x7f: {  	_ =	shalt  }
0x80: {  	_ =	shalt  }
0x81: {  	_ =	shalt  }
0x82: {  	_ =	shalt  }
0x83: {  	_ =	shalt  }
0x84: {  	_ =	shalt  }
0x85: {  	_ =	shalt  }
0x86: {  	_ =	shalt  }
0x87: {  	_ =	shalt  }
.Lfunc_end0:
.L_simem_size_0:
called_computation_lowered:
.L_overlay_start_0:
0x88: {  	s2 =	sld [smem:$0x3FD9]  }
0x89: {  	s3 =	sld [smem:$0x3FFE];
	_ =	sdelay $0x1  }
0x8a: {  	s1 =	srdreg.scid  }
0x8b: {  	s0 =	sand.u32 $0x1, s1  }
0x8c: {  	s17 =	sshll.u32 s0, $0xA;
	s2 =	sadd.s32 s3, s2  }
0x8d: {  	s2 =	sadd.s32 s2, s17  }
0x8e: {  	[smem:$0x3FC5] =	sst s2  }
0x8f: {  	_ = 	snop  }
0x90: {  	s2 =	sld [smem:$0x3FC9]  }
0x91: {  	s18 =	sld [smem:$0x3FC7]  }
0x92: {  	s4 =	sld [smem:$0x3FD0];
	(tm) =	ssettm $0x1  }
0x93: {  	s5 =	sld [smem:$0x3FFB];
	_ =	sdelay $0x3  }
0x94: {  	_ =	strace s5  }
0x95: {  	s5 =	sld [smem:$0x3FFC];
	_ =	sdelay $0x3  }
0x96: {  	_ =	strace s5  }
0x97: {  	s5 =	sld [smem:$0x3FFD];
	_ =	sdelay $0x3  }
0x98: {  	_ =	strace s5  }
0x99: {  	_ =	strace $0x8FFFFFFF  }
0x9a: {  	s19 =	sld [smem:$0x3FDB];
	_ =	sdelay $0x1  }
0x9b: {  	s6 =	simm.s32 $_scs_section_size  }
0x9c: {  	s7 =	simm.s32 $_size__tile_overlayer_lowered;
	s8 =	simm.s32 $_tile_overlayer_lowered  }
0x9d: {  	s22 =	simm.s32 $0x1BFF;
	s21 =	sshll.u32 s8, $0x1;
	s5 =	sadd.s32 s6, s19  }
0x9e: {  	s9 =	simm.s32 $0x0;
	s20 =	sshll.u32 s7, $0x1;
	s7 =	sadd.s32 s21, s5  }
0x9f: {  	[timem:s9], [sflag:s22] =	dma.local [hbm:s7], s20  }
0xa0: {  	_ =	swait.ge [sflag:s22], s20  }
0xa1: {  	s6 =	ssub.s32 $0x0, s20;
	[sflag:s22] =	ssyncset.done $0x0  }
0xa2: {  	[sflag:s22] =	ssyncadd.s32 s6;
	_ =	sdelay $0x1  }
0xa3: {  	s23 =	simm.s32 $0x1B8B  }
0xa4: {  	_ =	swait.ge [sflag:s23], $0x1  }
0xa5: {  	[sflag:s23] =	ssyncset.done $0x0  }
0xa6: {  	s25 =	simm.s32 $0x1B8E;
	s24 =	sld [smem:$0x3FFE];
	[sflag:s23] =	ssyncadd.s32 $0xFFFFFFFF  }
0xa7: {  	s26 =	simm.s32 $execute0_lowered;
	[smem:$0x3FD2] =	sst s25  }
0xa8: {  	s7 =	sshll.u32 s26, $0x1;
	_ =	strace $0x80000046;
	[dreg:$0x1] =	wrdreg $0xFFFFFFFF  }
0xa9: {  	s28 =	simm.s32 $_size_execute0_lowered;
	s5 =	sadd.s32 s5, s7;
	[dreg:$0x0] =	wrdreg $0x0  }
0xaa: {  	s7 =	sshll.u32 s28, $0x1;
	[dreg:$0x2] =	wrdreg s5  }
0xab: {  	[dreg:$0x3] =	wrdreg s7  }
0xac: {  	[dreg:$0x4] =	wrdreg $0xC0  }
0xad: {  	_ =	task [dreg:s9], $0x5FFFF  }
0xae: {  	[dreg:$0x1] =	wrdreg $0xFFFFFFFF  }
0xaf: {  	[dreg:$0x0] =	wrdreg $0x60  }
0xb0: {  	[dreg:$0x2] =	wrdreg s2  }
0xb1: {  	[dreg:$0x3] =	wrdreg s24  }
0xb2: {  	[dreg:$0x4] =	wrdreg s4  }
0xb3: {  	[dreg:$0x5] =	wrdreg s18  }
0xb4: {  	[dreg:$0x6] =	wrdreg $0xC6000  }
0xb5: {  	[dreg:$0x7] =	wrdreg $0x9  }
0xb6: {  	_ =	task.clear_ibuf [dreg:s9], $0x8FFFF;
	_ =	strace $0x90000046  }
0xb7: {  	s29 =	simm.s32 $0x9;
	_ =	strace $0x80000048  }
0xb8: {  	_ =	swait.ge [sflag:s29], $0x1  }
0xb9: {  	[sflag:s29] =	ssyncadd.s32 $0xFFFFFFFF  }
0xba: {  	_ =	strace $0x90000048  }
0xbb: {  	_ =	sfence  }
0xbc: {  	s30 =	sld [smem:$0x0];
	_ =	sdelay $0x2  }
0xbd: {  	s31 =	sshll.u32 s1, $0xD;
	s1 =	sshrl.u32 s1, $0x2  }
0xbe: {  	s3 =	sand.u32 $0x4000, s31;
	s1 =	sadd.s32 s1, s30  }
0xbf: {  	s0 =	sor.u32 s3, s0;
	s1 =	sshll.u32 s1, $0x11  }
0xc0: {  	s0 =	sor.u32 s1, s0  }
0xc1: {  	s0 =	sadd.s32 $0x8F2B, s0  }
0xc2: {  	[sflag:s0] =	ssyncadd.remote.s32 $0x1  }
0xc3: {  	_ =	sfence.sel $0xFFFF  }
0xc4: {  	[dreg:$0x0] =	wrdreg $0xFFFFFFFF;
	(pc) =	sbr.abs _section_cstart, $3  }
0xc5: {  	[dreg:$0x1] =	wrdreg $0xFFFFFFFF  }
0xc6: {  	_ =	task.clear_ibuf [dreg:s9], $0x2FFFF;
	_ =	strace $0x9FFFFFFF  }
0xc7: {  	(tm) =	ssettm $0x7FFFFFFF  }
tec
execute0_lowered:
.L_overlay_start_1:
0x0: {  	(tag) =	ssettag $0x1  }
0x1: {  	s1 =	rddreg [dreg:$0x0]  }
0x2: {  	s0 =	rddreg [dreg:$0x1]  }
0x3: {  	s2 =	rddreg [dreg:$0x2]  }
0x4: {  	s3 =	rddreg [dreg:$0x3]  }
0x5: {  	s4 =	rddreg [dreg:$0x4];
	s5 =	srdreg.scid;
	s6 =	simm.s32 $0x0  }
0x6: {  	s14 =	stileid.u32;
	s30 =	simm.s32 $0xC;
	s5 =	sand.u32 $0x1, s5  }
0x7: {  	[smem:$0x7FF] =	sst s6;
	s7 =	sadd.s32 $0x800, s0;
	s13 =	smul.u32 $0x4E000, s14  }
0x8: {  	s0 =	sadd.s32 $0x14200, s0;
	s20 =	smul.u32 $0x13800, s14;
	s8 =	sshll.u32 s5, $0x4  }
0x9: {  	_ =	strace $0x80000047;
	s9 =	ssub.s32 $0x2, s5;
	s5 =	smul.u32 $0x138800, s5  }
0xa: {  	s8 =	sor.u32 s14, s8;
	s11 =	sshrl.u32 s9, $0x1;
	s13 =	sshrl.u32 s13, $0x2  }
0xb: {  	s21 =	sadd.s32 $0x4000, s20;
	s14 =	sadd.s32 $0x8000, s20;
	s22 =	sadd.s32 $0xC000, s20  }
0xc: {  	s16 =	sadd.s32 $0x10000, s20;
	s10 =	smul.u32 $0x9C, s8;
	s12 =	smin.u32 s8, $0x8  }
0xd: {  	s9 =	ssub.s32 s9, s11;
	p0 =	slt.u32 s8, $0x8;
	s17 =	sadd.s32 s13, s4  }
0xe: {  	s15 =	sadd.s32 s21, s4;
	s25 =	sadd.s32 s14, s4;
	s26 =	sadd.s32 s22, s4  }
0xf: {  	s31 =	sadd.s32 s16, s4;
	s11 =	sadd.s32 s20, s5;
	[dreg:$0x7] =	wrdreg s15  }
0x10: {  	s13 =	sadd.s32 s5, s21;
	s14 =	sadd.s32 s5, s14;
	[dreg:$0x6] =	wrdreg s17  }
0x11: {  	s15 =	sadd.s32 s5, s22;
	s5 =	sadd.s32 s5, s16;
	[dreg:$0x8] =	wrdreg s25  }
0x12: {  	s11 =	sshrl.u32 s11, $0x3;
	s13 =	sshrl.u32 s13, $0x3;
	[dreg:$0x9] =	wrdreg s26  }
0x13: {  	s14 =	sshrl.u32 s14, $0x3;
	[dreg:$0xa] =	wrdreg s31;
	s10 =	sadd.s32 s12, s10  }
0x14: {  	s11 =	sadd.s32 s0, s11;
	s13 =	sadd.s32 s0, s13;
	s15 =	sshrl.u32 s15, $0x3  }
0x15: {  	s5 =	sshrl.u32 s5, $0x3;
	s12 =	sshll.u32 s10, $0x7;
	[dreg:$0xd] =	wrdreg s11  }
0x16: {  	s10 =	sshll.u32 s10, $0x4;
	[dreg:$0xe] =	wrdreg s13;
	s11 =	sadd.s32 s0, s14  }
0x17: {  	s14 =	simm.s32 $0x40;
	s18 =	sadd.s32 s2, s10;
	[dreg:$0xf] =	wrdreg s11  }
0x18: {  	s23 =	sadd.s32 s3, s10;
	s24 =	sshrl.u32 s12, $0x3;
	[dreg:$0xb] =	wrdreg s18  }
0x19: {  	s11 =	sadd.s32 s0, s15;
	s0 =	sadd.s32 s0, s5;
	[dreg:$0xc] =	wrdreg s23  }
0x1a: {  	s28 =	sadd.s32 $0x180, s12;
	s29 =	sadd.s32 $0x200, s12;
	[dreg:$0x10] =	wrdreg s11  }
0x1b: {  	s15 =	simm.s32 $0x80;
	[dreg:$0x11] =	wrdreg s0;
	s0 =	simm.s32 $0x9B  }
0x1c: {  	s18 =	sadd.s32 s7, s10;
	s19 =	sadd.s32 $0x10, s24;
	s23 =	sadd.s32 $0x100, s12  }
0x1d: {  	s24 =	smax.u32 s9, $0x1;
	s9 =	simm.s32 $0x580;
	s10 =	simm.s32 $0x2  }
0x1e: {  	s11 =	simm.s32 $0x8;
	s12 =	simm.s32 $0xB;
	[dreg:$0x12] =	wrdreg s18  }
0x1f: {  	s0 =	simm.s32 @!p0 $0x9A;
	p0 =	sgt.u32 s8, $0x7;
	[dreg:$0x18] =	wrdreg s23  }
0x20: {  	s20 =	sadd.s32 s2, s19;
	s21 =	sadd.s32 s3, s19;
	[dreg:$0x19] =	wrdreg s24  }
0x21: {  	s5 =	sadd.s32 s7, s19;
	s18 =	simm.s32 $0x100;
	[dreg:$0x13] =	wrdreg s20  }
.Ltmp0:
0x22: {  	s23 =	simm.s32 $0x8600;
	[dreg:$0x14] =	wrdreg s21;
	(pc) =	sbr.rel .LBB2_1-.Ltmp0, $4  }
0x23: {  	s19 =	simm.s32 $0x9;
	s24 =	simm.s32 $0x0;
	[dreg:$0x15] =	wrdreg s5  }
0x24: {  	s22 =	sadd.s32 $0xFFFFFFFF, s0;
	s0 =	sadd.s32 $0xFFFFFFFE, s0;
	s20 =	simm.s32 $0x7  }
0x25: {  	s21 =	simm.s32 $0xA;
	s5 =	simm.s32 $0x3;
	[dreg:$0x16] =	wrdreg s22  }
0x26: {  	v0 =	vimm.f32 $0.0e+00;
	[dreg:$0x17] =	wrdreg s0;
	s0 =	simm.s32 $0x1;
	s22 =	simm.s32 $0x6  }
.LBB2_15:
0x27: {  	s8 =	simm.s32 $0xD  }
0x28: {  	_ =	swait.ge [sflag:s8], $0x4000  }
0x29: {  	[sflag:s8] =	ssyncset.done $0x0  }
0x2a: {  	s16 =	simm.s32 $0xE;
	[sflag:s8] =	ssyncadd.s32 $0xFFFFC000  }
0x2b: {  	_ =	swait.ge [sflag:s16], $0x4000  }
0x2c: {  	[sflag:s16] =	ssyncset.done $0x0  }
0x2d: {  	s17 =	simm.s32 $0xF;
	[sflag:s16] =	ssyncadd.s32 $0xFFFFC000  }
0x2e: {  	_ =	swait.ge [sflag:s17], $0x4000  }
0x2f: {  	[sflag:s17] =	ssyncset.done $0x0  }
0x30: {  	[sflag:s17] =	ssyncadd.s32 $0xFFFFC000  }
0x31: {  	s13 =	stileid.u32;
	[bflag:$0x0] =	sbarrier.arrive $0xFFFF  }
0x32: {  	s8 =	sshll.u32 s13, $0x6;
	s17 =	rddreg [dreg:$0x6]  }
0x33: {  	s8 =	sor.u32 $0x1C01, s8;
	s16 =	rddreg [dreg:$0xd];
	s13 =	sshrl.u32 s17, $0x3  }
0x34: {  	[hbm:s16], [sflag:s8] =	dma.local [spmem:s13], $0x800  }
0x35: {  	s13 =	rddreg [dreg:$0x7]  }
0x36: {  	s16 =	rddreg [dreg:$0xe];
	s13 =	sshrl.u32 s13, $0x3  }
0x37: {  	[hbm:s16], [sflag:s8] =	dma.local [spmem:s13], $0x800  }
0x38: {  	s13 =	sshrl.u32 s25, $0x3;
	s16 =	rddreg [dreg:$0xf]  }
0x39: {  	[hbm:s16], [sflag:s8] =	dma.local [spmem:s13], $0x800  }
0x3a: {  	s13 =	sshrl.u32 s26, $0x3;
	s16 =	rddreg [dreg:$0x10]  }
0x3b: {  	[hbm:s16], [sflag:s8] =	dma.local [spmem:s13], $0x800  }
0x3c: {  	s13 =	sshrl.u32 s31, $0x3;
	s16 =	rddreg [dreg:$0x11]  }
0x3d: {  	[hbm:s16], [sflag:s8] =	dma.local [spmem:s13], $0x800  }
0x3e: {  	_ =	swait.ge [sflag:s0], $0x800  }
0x3f: {  	[sflag:s0] =	ssyncset.done $0x0  }
0x40: {  	[sflag:s0] =	ssyncadd.s32 $0xFFFFF800  }
0x41: {  	_ =	swait.ge [sflag:s0], $0x800  }
0x42: {  	[sflag:s0] =	ssyncset.done $0x0  }
0x43: {  	[sflag:s0] =	ssyncadd.s32 $0xFFFFF800  }
0x44: {  	_ =	swait.ge [sflag:s0], $0x800  }
0x45: {  	[sflag:s0] =	ssyncset.done $0x0  }
0x46: {  	[sflag:s0] =	ssyncadd.s32 $0xFFFFF800  }
0x47: {  	_ =	swait.ge [sflag:s0], $0x800  }
0x48: {  	[sflag:s0] =	ssyncset.done $0x0  }
0x49: {  	[sflag:s0] =	ssyncadd.s32 $0xFFFFF800  }
0x4a: {  	_ =	swait.ge [sflag:s0], $0x800  }
0x4b: {  	s24 =	sadd.s32 $0x1, s24;
	s16 =	rddreg [dreg:$0x19]  }
0x4c: {  	p1 =	sne.s32 s24, s16  }
.Ltmp1:
0x4d: {  	_ = 	snop;
	(pc) =	sbr.rel @!p1 .LBB2_16-.Ltmp1, $3  }
0x4e: {  	_ =	sdelay $0x1  }
0x4f: {  	[sflag:s0] =	ssyncset.done $0x0  }
0x50: {  	[sflag:s0] =	ssyncadd.s32 $0xFFFFF800  }
.LBB2_1:
0x51: {  	[dreg:$0x1a] =	wrdreg s24;
	s8 =	simm.s32 $0x700  }
0x52: {  	[tilespmem:s8+$0xFFFFFF00] =	vst v0  }
0x53: {  	[tilespmem:s8+$0xF0] =	vst v0  }
0x54: {  	[tilespmem:s8+$0xE0] =	vst v0  }
0x55: {  	[tilespmem:s8+$0xD0] =	vst v0  }
0x56: {  	[tilespmem:s8+$0xC0] =	vst v0  }
0x57: {  	[tilespmem:s8+$0xB0] =	vst v0  }
0x58: {  	[tilespmem:s8+$0xA0] =	vst v0  }
0x59: {  	[tilespmem:s8+$0x90] =	vst v0  }
0x5a: {  	[tilespmem:s8+$0x80] =	vst v0  }
0x5b: {  	[tilespmem:s8+$0x70] =	vst v0  }
0x5c: {  	[tilespmem:s8+$0x60] =	vst v0  }
0x5d: {  	[tilespmem:s8+$0x50] =	vst v0  }
0x5e: {  	[tilespmem:s8+$0x40] =	vst v0  }
0x5f: {  	[tilespmem:s8+$0x30] =	vst v0  }
0x60: {  	[tilespmem:s8+$0x20] =	vst v0  }
0x61: {  	[tilespmem:s8+$0x10] =	vst v0  }
0x62: {  	[tilespmem:s8+$0x0] =	vst v0  }
0x63: {  	[tilespmem:s8+$0xFFFFFFF0] =	vst v0  }
0x64: {  	[tilespmem:s8+$0xFFFFFFE0] =	vst v0  }
0x65: {  	[tilespmem:s8+$0xFFFFFFD0] =	vst v0  }
0x66: {  	[tilespmem:s8+$0xFFFFFFC0] =	vst v0  }
0x67: {  	[tilespmem:s8+$0xFFFFFFB0] =	vst v0  }
0x68: {  	[tilespmem:s8+$0xFFFFFFA0] =	vst v0  }
0x69: {  	[tilespmem:s8+$0xFFFFFF90] =	vst v0  }
0x6a: {  	[tilespmem:s8+$0xFFFFFF80] =	vst v0  }
0x6b: {  	[tilespmem:s8+$0xFFFFFF70] =	vst v0  }
0x6c: {  	[tilespmem:s8+$0xFFFFFF60] =	vst v0  }
0x6d: {  	[tilespmem:s8+$0xFFFFFF50] =	vst v0  }
0x6e: {  	[tilespmem:s8+$0xFFFFFF40] =	vst v0  }
0x6f: {  	[tilespmem:s8+$0xFFFFFF30] =	vst v0  }
0x70: {  	s13 =	simm.s32 $0x0;
	[tilespmem:s8+$0xFFFFFF20] =	vst v0  }
.LBB2_2:
0x71: {  	s13 =	sadd.s32 $0x4, s13;
	[tilespmem:s8+$0xFFFFFF10] =	vst v0;
	s8 =	sadd.s32 $0x200, s8  }
0x72: {  	[tilespmem:s8+$0xFFFFFF00] =	vst v0;
	p1 =	slt.u32 s13, $0x7C  }
0x73: {  	[tilespmem:s8+$0xF0] =	vst v0  }
0x74: {  	[tilespmem:s8+$0xE0] =	vst v0  }
0x75: {  	[tilespmem:s8+$0xD0] =	vst v0  }
0x76: {  	[tilespmem:s8+$0xC0] =	vst v0  }
0x77: {  	[tilespmem:s8+$0xB0] =	vst v0  }
0x78: {  	[tilespmem:s8+$0xA0] =	vst v0  }
0x79: {  	[tilespmem:s8+$0x90] =	vst v0  }
0x7a: {  	[tilespmem:s8+$0x80] =	vst v0  }
0x7b: {  	[tilespmem:s8+$0x70] =	vst v0  }
0x7c: {  	[tilespmem:s8+$0x60] =	vst v0  }
0x7d: {  	[tilespmem:s8+$0x50] =	vst v0  }
0x7e: {  	[tilespmem:s8+$0x40] =	vst v0  }
0x7f: {  	[tilespmem:s8+$0x30] =	vst v0  }
0x80: {  	[tilespmem:s8+$0x20] =	vst v0  }
0x81: {  	[tilespmem:s8+$0x10] =	vst v0  }
0x82: {  	[tilespmem:s8+$0x0] =	vst v0  }
0x83: {  	[tilespmem:s8+$0xFFFFFFF0] =	vst v0  }
0x84: {  	[tilespmem:s8+$0xFFFFFFE0] =	vst v0  }
0x85: {  	[tilespmem:s8+$0xFFFFFFD0] =	vst v0  }
0x86: {  	[tilespmem:s8+$0xFFFFFFC0] =	vst v0  }
0x87: {  	[tilespmem:s8+$0xFFFFFFB0] =	vst v0  }
0x88: {  	[tilespmem:s8+$0xFFFFFFA0] =	vst v0  }
0x89: {  	[tilespmem:s8+$0xFFFFFF90] =	vst v0  }
0x8a: {  	[tilespmem:s8+$0xFFFFFF80] =	vst v0  }
0x8b: {  	[tilespmem:s8+$0xFFFFFF70] =	vst v0  }
.Ltmp2:
0x8c: {  	[tilespmem:s8+$0xFFFFFF60] =	vst v0;
	(pc) =	sbr.rel @p1 .LBB2_2-.Ltmp2, $4  }
0x8d: {  	[tilespmem:s8+$0xFFFFFF50] =	vst v0  }
0x8e: {  	[tilespmem:s8+$0xFFFFFF40] =	vst v0  }
0x8f: {  	[tilespmem:s8+$0xFFFFFF30] =	vst v0  }
0x90: {  	[tilespmem:s8+$0xFFFFFF20] =	vst v0  }
0x91: {  	[tilespmem:s8+$0xFFFFFF10] =	vst v0;
	s16 =	simm.s32 $0x600  }
0x92: {  	[spmem:s17] =	stream.linear.scatter [tilespmem:s16], [sflag:$0x1], $0x4000, $0x38;
	[tilespmem:$0x1FE80] =	vst v63  }
0x93: {  	s8 =	rddreg [dreg:$0x7]  }
0x94: {  	[spmem:s8] =	stream.linear.scatter [tilespmem:s16], [sflag:$0x1], $0x4000, $0x38;
	[tilespmem:$0x1FE80] =	vst v63  }
0x95: {  	_ = 	snop  }
0x96: {  	[spmem:s25] =	stream.linear.scatter [tilespmem:s16], [sflag:$0x1], $0x4000, $0x38;
	[tilespmem:$0x1FE80] =	vst v63  }
0x97: {  	_ = 	snop  }
0x98: {  	[spmem:s26] =	stream.linear.scatter [tilespmem:s16], [sflag:$0x1], $0x4000, $0x38;
	[tilespmem:$0x1FE80] =	vst v63  }
0x99: {  	_ = 	snop  }
0x9a: {  	[spmem:s31] =	stream.linear.scatter [tilespmem:s16], [sflag:$0x1], $0x4000, $0x38;
	[tilespmem:$0x1FE80] =	vst v63  }
0x9b: {  	_ =	swait.ge [sflag:s0], $0x4000  }
0x9c: {  	[sflag:s0] =	ssyncset.done $0x0  }
0x9d: {  	[sflag:s0] =	ssyncadd.s32 $0xFFFFC000  }
0x9e: {  	_ =	swait.ge [sflag:s0], $0x4000  }
0x9f: {  	[sflag:s0] =	ssyncset.done $0x0  }
0xa0: {  	[sflag:s0] =	ssyncadd.s32 $0xFFFFC000  }
0xa1: {  	_ =	swait.ge [sflag:s0], $0x4000  }
0xa2: {  	[sflag:s0] =	ssyncset.done $0x0  }
0xa3: {  	[sflag:s0] =	ssyncadd.s32 $0xFFFFC000  }
0xa4: {  	_ =	swait.ge [sflag:s0], $0x4000  }
0xa5: {  	[sflag:s0] =	ssyncset.done $0x0  }
0xa6: {  	[sflag:s0] =	ssyncadd.s32 $0xFFFFC000  }
0xa7: {  	_ =	swait.ge [sflag:s0], $0x4000  }
0xa8: {  	[sflag:s0] =	ssyncset.done $0x0  }
0xa9: {  	[sflag:s0] =	ssyncadd.s32 $0xFFFFC000  }
0xaa: {  	[bflag:$0x0] =	sbarrier.arrive $0xFFFF  }
0xab: {  	s17 =	simm.s32 $0x10;
	s8 =	simm.s32 $0x0;
	s13 =	rddreg [dreg:$0xb]  }
0xac: {  	[tilespmem:s8], [sflag:$0x10] =	stream.linear.gather [hbm4b:s13+s8], $0x80, $0x38;
	[tilespmem:$0x1FE80] =	vst v63  }
0xad: {  	_ =	swait.ge [sflag:s17], $0x80  }
0xae: {  	[sflag:s17] =	ssyncset.done $0x0  }
0xaf: {  	s24 =	simm.s32 $0x180;
	s25 =	rddreg [dreg:$0xc];
	[sflag:s17] =	ssyncadd.s32 $0xFFFFFF80  }
0xb0: {  	[tilespmem:s24], [sflag:$0x7] =	stream.linear.gather [hbm4b:s25+s8], $0x80, $0x38;
	[tilespmem:$0x1FE80] =	vst v63  }
0xb1: {  	s31 =	simm.s32 $0x480;
	s26 =	rddreg [dreg:$0x12]  }
0xb2: {  	[tilespmem:s31], [sflag:$0xA] =	stream.linear.gather [hbm4b:s26+s8], $0x80, $0x38;
	[tilespmem:$0x1FE80] =	vst v63  }
0xb3: {  	_ = 	snop  }
0xb4: {  	[tilespmem:s16], [sflag:$0x1] =	stream.indirect.gather [hbm4b:s1+s14], $0x80, s8, s14, $0xb8;
	[tilespmem:$0x1FE80] =	vst v63  }
0xb5: {  	s24 =	simm.s32 $0x2600  }
0xb6: {  	[tilespmem:s24], [sflag:$0x1] =	stream.indirect.gather [hbm4b:s1+s14], $0x80, s14, s14, $0xb8;
	[tilespmem:$0x1FE80] =	vst v63  }
0xb7: {  	s25 =	rddreg [dreg:$0x13]  }
0xb8: {  	[tilespmem:s15], [sflag:$0x10] =	stream.linear.gather [hbm4b:s25+s8], $0x80, $0x38;
	[tilespmem:$0x1FE80] =	vst v63  }
0xb9: {  	_ =	swait.ge [sflag:s17], $0x80  }
0xba: {  	[sflag:s17] =	ssyncset.done $0x0  }
0xbb: {  	s31 =	simm.s32 $0x280;
	s26 =	rddreg [dreg:$0x14];
	[sflag:s17] =	ssyncadd.s32 $0xFFFFFF80  }
0xbc: {  	[tilespmem:s31], [sflag:$0x8] =	stream.linear.gather [hbm4b:s26+s8], $0x80, $0x38;
	[tilespmem:$0x1FE80] =	vst v63  }
0xbd: {  	s24 =	simm.s32 $0x500;
	s17 =	rddreg [dreg:$0x15]  }
0xbe: {  	[tilespmem:s24], [sflag:$0xB] =	stream.linear.gather [hbm4b:s17+s8], $0x80, $0x38;
	[tilespmem:$0x1FE80] =	vst v63  }
0xbf: {  	s25 =	simm.s32 $0x4600  }
0xc0: {  	[tilespmem:s25], [sflag:$0x2] =	stream.indirect.gather [hbm4b:s1+s14], $0x80, s15, s14, $0xb8;
	[tilespmem:$0x1FE80] =	vst v63  }
0xc1: {  	s26 =	simm.s32 $0xC0;
	s31 =	simm.s32 $0x6600  }
0xc2: {  	[tilespmem:s31], [sflag:$0x2] =	stream.indirect.gather [hbm4b:s1+s14], $0x80, s26, s14, $0xb8;
	[tilespmem:$0x1FE80] =	vst v63  }
.LBB2_4:
0xc3: {  	s16 =	smul.u32 $0x180, s8;
	_ =	swait.ge [sflag:s0], $0x4000  }
0xc4: {  	s13 =	rddreg [dreg:$0x18]  }
0xc5: {  	s13 =	sadd.s32 s16, s13  }
0xc6: {  	[sflag:s0] =	ssyncset.done $0x0;
	s13 =	sshrl.u32 s13, $0x3  }
0xc7: {  	[sflag:s0] =	ssyncadd.s32 $0xFFFFC000;
	s17 =	sadd.s32 s2, s13  }
0xc8: {  	[tilespmem:s18], [sflag:$0x6] =	stream.linear.gather [hbm4b:s17+s6], $0x80, $0x38;
	[tilespmem:$0x1FE80] =	vst v63  }
0xc9: {  	s24 =	simm.s32 $0x380;
	s25 =	sadd.s32 s3, s13  }
0xca: {  	[tilespmem:s24], [sflag:$0x9] =	stream.linear.gather [hbm4b:s25+s6], $0x80, $0x38;
	[tilespmem:$0x1FE80] =	vst v63  }
0xcb: {  	_ =	swait.ge [sflag:s20], $0x80  }
0xcc: {  	[sflag:s20] =	ssyncset.done $0x0  }
0xcd: {  	s26 =	simm.s32 $0x182;
	[sflag:s20] =	ssyncadd.s32 $0xFFFFFF80  }
0xce: {  	s17 =	simm.s32 $0x700;
	v1 =	vld.msk [tilespmem:s26+$0x1 ss:$0x0], $0xffff  }
0xcf: {  	v2 =	vld [tilespmem:s17+$0xF0]  }
0xd0: {  	v3 =	vld.msk [tilespmem:s26+$0xFFFFFFFE ss:$0x0], $0xffff  }
0xd1: {  	v4 =	vld [tilespmem:s17+$0xFFFFFF00]  }
0xd2: {  	v5 =	vld [tilespmem:s17+$0xFFFFFF10]  }
0xd3: {  	v6 =	vld [tilespmem:s17+$0xFFFFFF20]  }
0xd4: {  	v7 =	vld [tilespmem:s17+$0xFFFFFF30]  }
0xd5: {  	v10 =	vld [tilespmem:s17+$0xFFFFFF60]  }
0xd6: {  	v8 =	vld [tilespmem:s17+$0xFFFFFF40]  }
0xd7: {  	v9 =	vld [tilespmem:s17+$0xFFFFFF50];
	v4 =	vmul.f32 v3, v4  }
0xd8: {  	v11 =	vld.msk [tilespmem:s26+$0xFFFFFFFF ss:$0x0], $0xffff;
	v2 =	vmul.f32 v2, v1  }
0xd9: {  	v12 =	vld [tilespmem:s17+$0xFFFFFF80];
	v5 =	vmul.f32 v5, v3;
	[tilespmem:s17+$0xFFFFFF00] =	vst v4  }
0xda: {  	v63 =	vld [tilespmem:s17+$0xFFFFFFD0];
	v10 =	vmul.f32 v10, v3;
	[tilespmem:s17+$0xF0] =	vst v2  }
0xdb: {  	v4 =	vld [tilespmem:s17+$0xFFFFFF70];
	v2 =	vmul.f32 v6, v3;
	[tilespmem:s17+$0xFFFFFF10] =	vst v5  }
0xdc: {  	v6 =	vld [tilespmem:s17+$0xFFFFFF90];
	v5 =	vmul.f32 v7, v3;
	[tilespmem:s17+$0xFFFFFF60] =	vst v10  }
0xdd: {  	v7 =	vld [tilespmem:s17+$0xFFFFFFA0];
	[tilespmem:s17+$0xFFFFFF20] =	vst v2;
	v2 =	vmul.f32 v8, v3  }
0xde: {  	v8 =	vld [tilespmem:s17+$0xFFFFFFB0];
	[tilespmem:s17+$0xFFFFFF30] =	vst v5;
	v5 =	vmul.f32 v9, v3  }
0xdf: {  	v9 =	vld [tilespmem:s17+$0xFFFFFFC0];
	[tilespmem:s17+$0xFFFFFF40] =	vst v2;
	v2 =	vmul.f32 v11, v12  }
0xe0: {  	[tilespmem:s17+$0xFFFFFF50] =	vst v5;
	v5 =	vld [tilespmem:s17+$0xFFFFFFE0];
	v3 =	vmul.f32 v4, v3  }
0xe1: {  	v4 =	vld.msk [tilespmem:s26+$0x0 ss:$0x0], $0xffff;
	[tilespmem:s17+$0xFFFFFF80] =	vst v2;
	v2 =	vmul.f32 v6, v11  }
0xe2: {  	v6 =	vld [tilespmem:s17+$0xFFFFFFF0];
	[tilespmem:s17+$0xFFFFFF70] =	vst v3;
	v3 =	vmul.f32 v7, v11  }
0xe3: {  	v7 =	vld [tilespmem:s17+$0x0];
	[tilespmem:s17+$0xFFFFFF90] =	vst v2;
	v2 =	vmul.f32 v8, v11  }
0xe4: {  	v8 =	vld [tilespmem:s17+$0x10];
	[tilespmem:s17+$0xFFFFFFA0] =	vst v3;
	v3 =	vmul.f32 v9, v11  }
0xe5: {  	v9 =	vld [tilespmem:s17+$0x20];
	[tilespmem:s17+$0xFFFFFFB0] =	vst v2;
	v2 =	vmul.f32 v63, v11  }
0xe6: {  	v10 =	vld [tilespmem:s17+$0x30];
	[tilespmem:s17+$0xFFFFFFC0] =	vst v3;
	v3 =	vmul.f32 v5, v11  }
0xe7: {  	v5 =	vld [tilespmem:s17+$0x40];
	v6 =	vmul.f32 v6, v11;
	[tilespmem:s17+$0xFFFFFFD0] =	vst v2  }
0xe8: {  	v2 =	vmul.f32 v4, v7;
	v7 =	vld [tilespmem:s17+$0x50];
	[tilespmem:s17+$0xFFFFFFE0] =	vst v3  }
0xe9: {  	v11 =	vld [tilespmem:s17+$0x60];
	v3 =	vmul.f32 v8, v4;
	[tilespmem:s17+$0xFFFFFFF0] =	vst v6  }
0xea: {  	v6 =	vld [tilespmem:s17+$0x70];
	[tilespmem:s17+$0x0] =	vst v2;
	v2 =	vmul.f32 v9, v4  }
0xeb: {  	v8 =	vld [tilespmem:s17+$0x80];
	[tilespmem:s17+$0x10] =	vst v3;
	v3 =	vmul.f32 v10, v4  }
0xec: {  	v9 =	vld [tilespmem:s17+$0x90];
	[tilespmem:s17+$0x20] =	vst v2;
	v2 =	vmul.f32 v5, v4  }
0xed: {  	[tilespmem:s17+$0x30] =	vst v3;
	v5 =	vmul.f32 v7, v4;
	v3 =	vld [tilespmem:s17+$0xA0]  }
0xee: {  	v7 =	vmul.f32 v11, v4;
	[tilespmem:s17+$0x40] =	vst v2;
	v2 =	vld [tilespmem:s17+$0xB0]  }
0xef: {  	v6 =	vmul.f32 v6, v4;
	v4 =	vld [tilespmem:s17+$0xC0];
	[tilespmem:s17+$0x50] =	vst v5  }
0xf0: {  	v8 =	vmul.f32 v1, v8;
	[tilespmem:s17+$0x60] =	vst v7;
	v5 =	vld [tilespmem:s17+$0xD0]  }
0xf1: {  	s31 =	simm.s32 $0x0;
	s24 =	simm.s32 $0x186;
	s25 =	simm.s32 $0x700;
	v7 =	vmul.f32 v9, v1;
	[tilespmem:s17+$0x70] =	vst v6;
	v6 =	vld [tilespmem:s17+$0xE0]  }
.LBB2_5:
0xf2: {  	v9 =	vld.msk [tilespmem:s24+$0x1 ss:$0x0], $0xffff;
	s31 =	sadd.s32 $0x4, s31;
	[tilespmem:s17+$0x80] =	vst v8;
	v3 =	vmul.f32 v3, v1;
	s25 =	sadd.s32 $0x200, s25  }
0xf3: {  	v8 =	vld [tilespmem:s25+$0xF0];
	p1 =	slt.u32 s31, $0x7C;
	[tilespmem:s17+$0x90] =	vst v7;
	v2 =	vmul.f32 v2, v1  }
0xf4: {  	v7 =	vld.msk [tilespmem:s24+$0xFFFFFFFF ss:$0x0], $0xffff;
	[tilespmem:s17+$0xA0] =	vst v3;
	v3 =	vmul.f32 v4, v1  }
0xf5: {  	v4 =	vld.msk [tilespmem:s24+$0x0 ss:$0x0], $0xffff;
	[tilespmem:s17+$0xB0] =	vst v2;
	v2 =	vmul.f32 v5, v1  }
0xf6: {  	v5 =	vld.msk [tilespmem:s24+$0xFFFFFFFE ss:$0x0], $0xffff;
	[tilespmem:s17+$0xC0] =	vst v3;
	v10 =	vmul.f32 v6, v1  }
0xf7: {  	v3 =	vld [tilespmem:s25+$0xFFFFFF00];
	[tilespmem:s17+$0xD0] =	vst v2  }
0xf8: {  	v1 =	vmov v9;
	v2 =	vld [tilespmem:s25+$0xFFFFFF10];
	v6 =	vmul.f32 v8, v9;
	[tilespmem:s17+$0xE0] =	vst v10;
	s17 =	smov.u32 s25  }
0xf9: {  	v8 =	vld [tilespmem:s25+$0xFFFFFF20]  }
0xfa: {  	v9 =	vld [tilespmem:s25+$0xFFFFFF30];
	[tilespmem:s25+$0xF0] =	vst v6  }
0xfb: {  	v6 =	vld [tilespmem:s25+$0xFFFFFF40]  }
0xfc: {  	v3 =	vmul.f32 v5, v3;
	v10 =	vld [tilespmem:s25+$0xFFFFFF50]  }
0xfd: {  	v2 =	vmul.f32 v2, v5;
	v11 =	vld [tilespmem:s25+$0xFFFFFF60]  }
0xfe: {  	[tilespmem:s25+$0xFFFFFF00] =	vst v3;
	v3 =	vmul.f32 v8, v5;
	v8 =	vld [tilespmem:s25+$0xFFFFFF70]  }
0xff: {  	[tilespmem:s25+$0xFFFFFF10] =	vst v2;
	v2 =	vmul.f32 v9, v5;
	v9 =	vld [tilespmem:s25+$0xFFFFFF80]  }
0x100: {  	[tilespmem:s25+$0xFFFFFF20] =	vst v3;
	v3 =	vmul.f32 v6, v5;
	v6 =	vld [tilespmem:s25+$0xFFFFFF90]  }
0x101: {  	[tilespmem:s25+$0xFFFFFF30] =	vst v2;
	v2 =	vmul.f32 v10, v5;
	v10 =	vld [tilespmem:s25+$0xFFFFFFA0]  }
0x102: {  	[tilespmem:s25+$0xFFFFFF40] =	vst v3;
	v3 =	vmul.f32 v11, v5;
	v11 =	vld [tilespmem:s25+$0xFFFFFFB0]  }
0x103: {  	[tilespmem:s25+$0xFFFFFF50] =	vst v2;
	v2 =	vmul.f32 v8, v5;
	v5 =	vld [tilespmem:s25+$0xFFFFFFC0]  }
0x104: {  	[tilespmem:s25+$0xFFFFFF60] =	vst v3;
	v3 =	vmul.f32 v7, v9;
	v8 =	vld [tilespmem:s25+$0xFFFFFFD0]  }
0x105: {  	[tilespmem:s25+$0xFFFFFF70] =	vst v2;
	v2 =	vmul.f32 v6, v7;
	v6 =	vld [tilespmem:s25+$0xFFFFFFE0]  }
0x106: {  	[tilespmem:s25+$0xFFFFFF80] =	vst v3;
	v3 =	vmul.f32 v10, v7;
	v9 =	vld [tilespmem:s25+$0xFFFFFFF0]  }
0x107: {  	[tilespmem:s25+$0xFFFFFF90] =	vst v2;
	v2 =	vmul.f32 v11, v7;
	v10 =	vld [tilespmem:s25+$0x0]  }
0x108: {  	[tilespmem:s25+$0xFFFFFFA0] =	vst v3;
	v3 =	vmul.f32 v5, v7;
	v5 =	vld [tilespmem:s25+$0x10]  }
0x109: {  	[tilespmem:s25+$0xFFFFFFB0] =	vst v2;
	v2 =	vmul.f32 v8, v7;
	v8 =	vld [tilespmem:s25+$0x20]  }
0x10a: {  	[tilespmem:s25+$0xFFFFFFC0] =	vst v3;
	v3 =	vmul.f32 v6, v7;
	v6 =	vld [tilespmem:s25+$0x30]  }
0x10b: {  	[tilespmem:s25+$0xFFFFFFD0] =	vst v2;
	v2 =	vmul.f32 v9, v7;
	v7 =	vld [tilespmem:s25+$0x40]  }
0x10c: {  	[tilespmem:s25+$0xFFFFFFE0] =	vst v3;
	v3 =	vmul.f32 v4, v10;
	v9 =	vld [tilespmem:s25+$0x50]  }
0x10d: {  	[tilespmem:s25+$0xFFFFFFF0] =	vst v2;
	v2 =	vmul.f32 v5, v4;
	v5 =	vld [tilespmem:s25+$0x60]  }
0x10e: {  	[tilespmem:s25+$0x0] =	vst v3;
	v3 =	vmul.f32 v8, v4;
	v8 =	vld [tilespmem:s25+$0x70]  }
0x10f: {  	[tilespmem:s25+$0x10] =	vst v2;
	v2 =	vmul.f32 v6, v4;
	v6 =	vld [tilespmem:s25+$0x80]  }
0x110: {  	[tilespmem:s25+$0x20] =	vst v3;
	v7 =	vmul.f32 v7, v4;
	v10 =	vld [tilespmem:s25+$0x90]  }
.Ltmp3:
0x111: {  	[tilespmem:s25+$0x30] =	vst v2;
	v9 =	vmul.f32 v9, v4;
	v3 =	vld [tilespmem:s25+$0xA0];
	(pc) =	sbr.rel @p1 .LBB2_5-.Ltmp3, $4  }
0x112: {  	[tilespmem:s25+$0x40] =	vst v7;
	v5 =	vmul.f32 v5, v4;
	v2 =	vld [tilespmem:s25+$0xB0]  }
0x113: {  	[tilespmem:s25+$0x50] =	vst v9;
	v7 =	vmul.f32 v8, v4;
	v4 =	vld [tilespmem:s25+$0xC0]  }
0x114: {  	[tilespmem:s25+$0x60] =	vst v5;
	v8 =	vmul.f32 v1, v6;
	v5 =	vld [tilespmem:s25+$0xD0]  }
0x115: {  	s24 =	sadd.s32 $0x4, s24;
	[tilespmem:s25+$0x70] =	vst v7;
	v7 =	vmul.f32 v10, v1;
	v6 =	vld [tilespmem:s25+$0xE0]  }
0x116: {  	[tilespmem:s17+$0x80] =	vst v8;
	v3 =	vmul.f32 v3, v1  }
0x117: {  	[tilespmem:s17+$0x90] =	vst v7;
	v2 =	vmul.f32 v2, v1  }
0x118: {  	[tilespmem:s17+$0xA0] =	vst v3;
	v3 =	vmul.f32 v4, v1  }
0x119: {  	[tilespmem:s17+$0xB0] =	vst v2;
	v2 =	vmul.f32 v5, v1  }
0x11a: {  	[tilespmem:s17+$0xC0] =	vst v3;
	v1 =	vmul.f32 v6, v1  }
0x11b: {  	[tilespmem:s17+$0xD0] =	vst v2  }
0x11c: {  	[tilespmem:s17+$0xE0] =	vst v1  }
0x11d: {  	_ =	swait.ge [sflag:s21], $0x80  }
0x11e: {  	s26 =	simm.s32 $0x600;
	p1 =	seq.s32 s8, $0x0;
	[sflag:s21] =	ssyncset.done $0x0  }
0x11f: {  	s24 =	simm.s32 $0x480;
	s17 =	simm.s32 @!p1 $0xF;
	[sflag:s21] =	ssyncadd.s32 $0xFFFFFF80  }
0x120: {  	[spmem:s4] =	stream.indirect.scatter.add.f32 [tilespmem:s26], [sflag:$0xD], $0x80, s24, s15, $0xb8;
	[tilespmem:$0x1FE80] =	vst v63  }
0x121: {  	_ =	swait.ge @!p1 [sflag:s17], $0x4000  }
0x122: {  	[sflag:s17] =	ssyncset.done @!p1 $0x0  }
0x123: {  	[sflag:s17] =	ssyncadd.s32 @!p1 $0xFFFFC000  }
0x124: {  	_ =	swait.ge [sflag:s22], $0x80  }
0x125: {  	[sflag:s22] =	ssyncset.done $0x0  }
0x126: {  	[sflag:s22] =	ssyncadd.s32 $0xFFFFFF80  }
0x127: {  	[tilespmem:s23], [sflag:$0x3] =	stream.indirect.gather [hbm4b:s1+s14], $0x80, s18, s14, $0xb8;
	[tilespmem:$0x1FE80] =	vst v63  }
0x128: {  	s25 =	simm.s32 $0x140;
	s26 =	simm.s32 $0xA600;
	s17 =	smul.u32 $0x3, s8  }
0x129: {  	[tilespmem:s26], [sflag:$0x3] =	stream.indirect.gather [hbm4b:s1+s14], $0x80, s25, s14, $0xb8;
	[tilespmem:$0x1FE80] =	vst v63  }
0x12a: {  	s25 =	rddreg [dreg:$0x16]  }
0x12b: {  	s13 =	sadd.s32 s7, s13;
	p1 =	sge.u32 s17, s25  }
0x12c: {  	[tilespmem:s9], [sflag:$0xC] =	stream.linear.gather [hbm4b:s13+s6], $0x80, $0x38;
	[tilespmem:$0x1FE80] =	vst v63  }
0x12d: {  	s13 =	sadd.s32 @!p1 s16, s28;
	_ =	swait.ge [sflag:s10], $0x4000  }
0x12e: {  	s13 =	sshrl.u32 @!p1 s13, $0x3;
	[sflag:s10] =	ssyncset.done $0x0  }
0x12f: {  	s25 =	simm.s32 @!p1 $0x0;
	s24 =	sadd.s32 @!p1 s2, s13;
	[sflag:s10] =	ssyncadd.s32 $0xFFFFC000  }
0x130: {  	[tilespmem:s25], [sflag:$0x4] =	stream.linear.gather @!p1 [hbm4b:s24+s25], $0x80, $0x38;
	[tilespmem:$0x1FE80] =	vst v63  }
0x131: {  	s26 =	simm.s32 @!p1 $0x180;
	s24 =	sadd.s32 @!p1 s3, s13  }
0x132: {  	[tilespmem:s26], [sflag:$0x7] =	stream.linear.gather @!p1 [hbm4b:s24+s25], $0x80, $0x38;
	[tilespmem:$0x1FE80] =	vst v63  }
0x133: {  	_ =	swait.ge [sflag:s11], $0x80  }
0x134: {  	[sflag:s11] =	ssyncset.done $0x0  }
0x135: {  	s26 =	simm.s32 $0x282;
	[sflag:s11] =	ssyncadd.s32 $0xFFFFFF80  }
0x136: {  	s31 =	simm.s32 $0x4700;
	v1 =	vld.msk [tilespmem:s26+$0x1 ss:$0x0], $0xffff  }
0x137: {  	v2 =	vld [tilespmem:s31+$0xF0]  }
0x138: {  	v3 =	vld.msk [tilespmem:s26+$0xFFFFFFFE ss:$0x0], $0xffff  }
0x139: {  	v4 =	vld [tilespmem:s31+$0xFFFFFF00]  }
0x13a: {  	v5 =	vld [tilespmem:s31+$0xFFFFFF10]  }
0x13b: {  	v6 =	vld [tilespmem:s31+$0xFFFFFF20]  }
0x13c: {  	v7 =	vld [tilespmem:s31+$0xFFFFFF30]  }
0x13d: {  	v10 =	vld [tilespmem:s31+$0xFFFFFF60]  }
0x13e: {  	v8 =	vld [tilespmem:s31+$0xFFFFFF40]  }
0x13f: {  	v9 =	vld [tilespmem:s31+$0xFFFFFF50];
	v4 =	vmul.f32 v3, v4  }
0x140: {  	v11 =	vld.msk [tilespmem:s26+$0xFFFFFFFF ss:$0x0], $0xffff;
	v2 =	vmul.f32 v2, v1  }
0x141: {  	v12 =	vld [tilespmem:s31+$0xFFFFFF80];
	v5 =	vmul.f32 v5, v3;
	[tilespmem:s31+$0xFFFFFF00] =	vst v4  }
0x142: {  	v63 =	vld [tilespmem:s31+$0xFFFFFFD0];
	v10 =	vmul.f32 v10, v3;
	[tilespmem:s31+$0xF0] =	vst v2  }
0x143: {  	v4 =	vld [tilespmem:s31+$0xFFFFFF70];
	v2 =	vmul.f32 v6, v3;
	[tilespmem:s31+$0xFFFFFF10] =	vst v5  }
0x144: {  	v6 =	vld [tilespmem:s31+$0xFFFFFF90];
	v5 =	vmul.f32 v7, v3;
	[tilespmem:s31+$0xFFFFFF60] =	vst v10  }
0x145: {  	v7 =	vld [tilespmem:s31+$0xFFFFFFA0];
	[tilespmem:s31+$0xFFFFFF20] =	vst v2;
	v2 =	vmul.f32 v8, v3  }
0x146: {  	v8 =	vld [tilespmem:s31+$0xFFFFFFB0];
	[tilespmem:s31+$0xFFFFFF30] =	vst v5;
	v5 =	vmul.f32 v9, v3  }
0x147: {  	v9 =	vld [tilespmem:s31+$0xFFFFFFC0];
	[tilespmem:s31+$0xFFFFFF40] =	vst v2;
	v2 =	vmul.f32 v11, v12  }
0x148: {  	[tilespmem:s31+$0xFFFFFF50] =	vst v5;
	v5 =	vld [tilespmem:s31+$0xFFFFFFE0];
	v3 =	vmul.f32 v4, v3  }
0x149: {  	v4 =	vld.msk [tilespmem:s26+$0x0 ss:$0x0], $0xffff;
	[tilespmem:s31+$0xFFFFFF80] =	vst v2;
	v2 =	vmul.f32 v6, v11  }
0x14a: {  	v6 =	vld [tilespmem:s31+$0xFFFFFFF0];
	[tilespmem:s31+$0xFFFFFF70] =	vst v3;
	v3 =	vmul.f32 v7, v11  }
0x14b: {  	v7 =	vld [tilespmem:s31+$0x0];
	[tilespmem:s31+$0xFFFFFF90] =	vst v2;
	v2 =	vmul.f32 v8, v11  }
0x14c: {  	v8 =	vld [tilespmem:s31+$0x10];
	[tilespmem:s31+$0xFFFFFFA0] =	vst v3;
	v3 =	vmul.f32 v9, v11  }
0x14d: {  	v9 =	vld [tilespmem:s31+$0x20];
	[tilespmem:s31+$0xFFFFFFB0] =	vst v2;
	v2 =	vmul.f32 v63, v11  }
0x14e: {  	v10 =	vld [tilespmem:s31+$0x30];
	[tilespmem:s31+$0xFFFFFFC0] =	vst v3;
	v3 =	vmul.f32 v5, v11  }
0x14f: {  	v5 =	vld [tilespmem:s31+$0x40];
	v6 =	vmul.f32 v6, v11;
	[tilespmem:s31+$0xFFFFFFD0] =	vst v2  }
0x150: {  	v2 =	vmul.f32 v4, v7;
	v7 =	vld [tilespmem:s31+$0x50];
	[tilespmem:s31+$0xFFFFFFE0] =	vst v3  }
0x151: {  	v11 =	vld [tilespmem:s31+$0x60];
	v3 =	vmul.f32 v8, v4;
	[tilespmem:s31+$0xFFFFFFF0] =	vst v6  }
0x152: {  	v6 =	vld [tilespmem:s31+$0x70];
	[tilespmem:s31+$0x0] =	vst v2;
	v2 =	vmul.f32 v9, v4  }
0x153: {  	v8 =	vld [tilespmem:s31+$0x80];
	[tilespmem:s31+$0x10] =	vst v3;
	v3 =	vmul.f32 v10, v4  }
0x154: {  	v9 =	vld [tilespmem:s31+$0x90];
	[tilespmem:s31+$0x20] =	vst v2;
	v2 =	vmul.f32 v5, v4  }
0x155: {  	[tilespmem:s31+$0x30] =	vst v3;
	v5 =	vmul.f32 v7, v4;
	v3 =	vld [tilespmem:s31+$0xA0]  }
0x156: {  	v7 =	vmul.f32 v11, v4;
	[tilespmem:s31+$0x40] =	vst v2;
	v2 =	vld [tilespmem:s31+$0xB0]  }
0x157: {  	v6 =	vmul.f32 v6, v4;
	v4 =	vld [tilespmem:s31+$0xC0];
	[tilespmem:s31+$0x50] =	vst v5  }
0x158: {  	v8 =	vmul.f32 v1, v8;
	[tilespmem:s31+$0x60] =	vst v7;
	v5 =	vld [tilespmem:s31+$0xD0]  }
0x159: {  	s24 =	simm.s32 $0x0;
	s25 =	simm.s32 $0x286;
	s26 =	simm.s32 $0x4700;
	v7 =	vmul.f32 v9, v1;
	[tilespmem:s31+$0x70] =	vst v6;
	v6 =	vld [tilespmem:s31+$0xE0]  }
.LBB2_7:
0x15a: {  	v9 =	vld.msk [tilespmem:s25+$0x1 ss:$0x0], $0xffff;
	s24 =	sadd.s32 $0x4, s24;
	[tilespmem:s31+$0x80] =	vst v8;
	v3 =	vmul.f32 v3, v1;
	s26 =	sadd.s32 $0x200, s26  }
0x15b: {  	v8 =	vld [tilespmem:s26+$0xF0];
	p2 =	slt.u32 s24, $0x7C;
	[tilespmem:s31+$0x90] =	vst v7;
	v2 =	vmul.f32 v2, v1  }
0x15c: {  	v7 =	vld.msk [tilespmem:s25+$0xFFFFFFFF ss:$0x0], $0xffff;
	[tilespmem:s31+$0xA0] =	vst v3;
	v3 =	vmul.f32 v4, v1  }
0x15d: {  	v4 =	vld.msk [tilespmem:s25+$0x0 ss:$0x0], $0xffff;
	[tilespmem:s31+$0xB0] =	vst v2;
	v2 =	vmul.f32 v5, v1  }
0x15e: {  	v5 =	vld.msk [tilespmem:s25+$0xFFFFFFFE ss:$0x0], $0xffff;
	[tilespmem:s31+$0xC0] =	vst v3;
	v10 =	vmul.f32 v6, v1  }
0x15f: {  	v3 =	vld [tilespmem:s26+$0xFFFFFF00];
	[tilespmem:s31+$0xD0] =	vst v2  }
0x160: {  	v1 =	vmov v9;
	v2 =	vld [tilespmem:s26+$0xFFFFFF10];
	v6 =	vmul.f32 v8, v9;
	[tilespmem:s31+$0xE0] =	vst v10;
	s31 =	smov.u32 s26  }
0x161: {  	v8 =	vld [tilespmem:s26+$0xFFFFFF20]  }
0x162: {  	v9 =	vld [tilespmem:s26+$0xFFFFFF30];
	[tilespmem:s26+$0xF0] =	vst v6  }
0x163: {  	v6 =	vld [tilespmem:s26+$0xFFFFFF40]  }
0x164: {  	v3 =	vmul.f32 v5, v3;
	v10 =	vld [tilespmem:s26+$0xFFFFFF50]  }
0x165: {  	v2 =	vmul.f32 v2, v5;
	v11 =	vld [tilespmem:s26+$0xFFFFFF60]  }
0x166: {  	[tilespmem:s26+$0xFFFFFF00] =	vst v3;
	v3 =	vmul.f32 v8, v5;
	v8 =	vld [tilespmem:s26+$0xFFFFFF70]  }
0x167: {  	[tilespmem:s26+$0xFFFFFF10] =	vst v2;
	v2 =	vmul.f32 v9, v5;
	v9 =	vld [tilespmem:s26+$0xFFFFFF80]  }
0x168: {  	[tilespmem:s26+$0xFFFFFF20] =	vst v3;
	v3 =	vmul.f32 v6, v5;
	v6 =	vld [tilespmem:s26+$0xFFFFFF90]  }
0x169: {  	[tilespmem:s26+$0xFFFFFF30] =	vst v2;
	v2 =	vmul.f32 v10, v5;
	v10 =	vld [tilespmem:s26+$0xFFFFFFA0]  }
0x16a: {  	[tilespmem:s26+$0xFFFFFF40] =	vst v3;
	v3 =	vmul.f32 v11, v5;
	v11 =	vld [tilespmem:s26+$0xFFFFFFB0]  }
0x16b: {  	[tilespmem:s26+$0xFFFFFF50] =	vst v2;
	v2 =	vmul.f32 v8, v5;
	v5 =	vld [tilespmem:s26+$0xFFFFFFC0]  }
0x16c: {  	[tilespmem:s26+$0xFFFFFF60] =	vst v3;
	v3 =	vmul.f32 v7, v9;
	v8 =	vld [tilespmem:s26+$0xFFFFFFD0]  }
0x16d: {  	[tilespmem:s26+$0xFFFFFF70] =	vst v2;
	v2 =	vmul.f32 v6, v7;
	v6 =	vld [tilespmem:s26+$0xFFFFFFE0]  }
0x16e: {  	[tilespmem:s26+$0xFFFFFF80] =	vst v3;
	v3 =	vmul.f32 v10, v7;
	v9 =	vld [tilespmem:s26+$0xFFFFFFF0]  }
0x16f: {  	[tilespmem:s26+$0xFFFFFF90] =	vst v2;
	v2 =	vmul.f32 v11, v7;
	v10 =	vld [tilespmem:s26+$0x0]  }
0x170: {  	[tilespmem:s26+$0xFFFFFFA0] =	vst v3;
	v3 =	vmul.f32 v5, v7;
	v5 =	vld [tilespmem:s26+$0x10]  }
0x171: {  	[tilespmem:s26+$0xFFFFFFB0] =	vst v2;
	v2 =	vmul.f32 v8, v7;
	v8 =	vld [tilespmem:s26+$0x20]  }
0x172: {  	[tilespmem:s26+$0xFFFFFFC0] =	vst v3;
	v3 =	vmul.f32 v6, v7;
	v6 =	vld [tilespmem:s26+$0x30]  }
0x173: {  	[tilespmem:s26+$0xFFFFFFD0] =	vst v2;
	v2 =	vmul.f32 v9, v7;
	v7 =	vld [tilespmem:s26+$0x40]  }
0x174: {  	[tilespmem:s26+$0xFFFFFFE0] =	vst v3;
	v3 =	vmul.f32 v4, v10;
	v9 =	vld [tilespmem:s26+$0x50]  }
0x175: {  	[tilespmem:s26+$0xFFFFFFF0] =	vst v2;
	v2 =	vmul.f32 v5, v4;
	v5 =	vld [tilespmem:s26+$0x60]  }
0x176: {  	[tilespmem:s26+$0x0] =	vst v3;
	v3 =	vmul.f32 v8, v4;
	v8 =	vld [tilespmem:s26+$0x70]  }
0x177: {  	[tilespmem:s26+$0x10] =	vst v2;
	v2 =	vmul.f32 v6, v4;
	v6 =	vld [tilespmem:s26+$0x80]  }
0x178: {  	[tilespmem:s26+$0x20] =	vst v3;
	v7 =	vmul.f32 v7, v4;
	v10 =	vld [tilespmem:s26+$0x90]  }
.Ltmp4:
0x179: {  	[tilespmem:s26+$0x30] =	vst v2;
	v9 =	vmul.f32 v9, v4;
	v3 =	vld [tilespmem:s26+$0xA0];
	(pc) =	sbr.rel @p2 .LBB2_7-.Ltmp4, $4  }
0x17a: {  	[tilespmem:s26+$0x40] =	vst v7;
	v5 =	vmul.f32 v5, v4;
	v2 =	vld [tilespmem:s26+$0xB0]  }
0x17b: {  	[tilespmem:s26+$0x50] =	vst v9;
	v7 =	vmul.f32 v8, v4;
	v4 =	vld [tilespmem:s26+$0xC0]  }
0x17c: {  	[tilespmem:s26+$0x60] =	vst v5;
	v8 =	vmul.f32 v1, v6;
	v5 =	vld [tilespmem:s26+$0xD0]  }
0x17d: {  	s25 =	sadd.s32 $0x4, s25;
	[tilespmem:s26+$0x70] =	vst v7;
	v7 =	vmul.f32 v10, v1;
	v6 =	vld [tilespmem:s26+$0xE0]  }
0x17e: {  	[tilespmem:s31+$0x80] =	vst v8;
	v3 =	vmul.f32 v3, v1  }
0x17f: {  	[tilespmem:s31+$0x90] =	vst v7;
	v2 =	vmul.f32 v2, v1  }
0x180: {  	[tilespmem:s31+$0xA0] =	vst v3;
	v3 =	vmul.f32 v4, v1  }
0x181: {  	[tilespmem:s31+$0xB0] =	vst v2;
	v2 =	vmul.f32 v5, v1  }
0x182: {  	[tilespmem:s31+$0xC0] =	vst v3;
	v1 =	vmul.f32 v6, v1  }
0x183: {  	[tilespmem:s31+$0xD0] =	vst v2  }
0x184: {  	[tilespmem:s31+$0xE0] =	vst v1  }
0x185: {  	_ =	swait.ge [sflag:s12], $0x80  }
0x186: {  	[sflag:s12] =	ssyncset.done $0x0  }
0x187: {  	s24 =	simm.s32 $0x500;
	s25 =	simm.s32 $0x4600;
	[sflag:s12] =	ssyncadd.s32 $0xFFFFFF80  }
0x188: {  	[spmem:s4] =	stream.indirect.scatter.add.f32 [tilespmem:s25], [sflag:$0xE], $0x80, s24, s15, $0xb8;
	[tilespmem:$0x1FE80] =	vst v63  }
0x189: {  	s24 =	simm.s32 @!p1 $0xD  }
0x18a: {  	_ =	swait.ge @!p1 [sflag:s24], $0x4000  }
0x18b: {  	[sflag:s24] =	ssyncset.done @!p1 $0x0  }
0x18c: {  	[sflag:s24] =	ssyncadd.s32 @!p1 $0xFFFFC000;
	s24 =	simm.s32 @!p1 $0x4  }
0x18d: {  	_ =	swait.ge @!p1 [sflag:s24], $0x80  }
0x18e: {  	s26 =	simm.s32 @!p1 $0x600;
	[sflag:s24] =	ssyncset.done @!p1 $0x0  }
0x18f: {  	s25 =	simm.s32 @!p1 $0x0;
	[sflag:s24] =	ssyncadd.s32 @!p1 $0xFFFFFF80;
	s24 =	simm.s32 @!p1 $0x40  }
0x190: {  	[tilespmem:s26], [sflag:$0x1] =	stream.indirect.gather @!p1 [hbm4b:s1+s24], $0x80, s25, s24, $0xb8;
	[tilespmem:$0x1FE80] =	vst v63  }
0x191: {  	s26 =	simm.s32 @!p1 $0x2600  }
0x192: {  	[tilespmem:s26], [sflag:$0x1] =	stream.indirect.gather @!p1 [hbm4b:s1+s24], $0x80, s24, s24, $0xb8;
	[tilespmem:$0x1FE80] =	vst v63  }
0x193: {  	s13 =	sadd.s32 @!p1 s7, s13;
	s24 =	simm.s32 @!p1 $0x480;
	s26 =	rddreg [dreg:$0x17]  }
0x194: {  	[tilespmem:s24], [sflag:$0xA] =	stream.linear.gather @!p1 [hbm4b:s13+s25], $0x80, $0x38;
	[tilespmem:$0x1FE80] =	vst v63  }
0x195: {  	p1 =	sge.u32 s17, s26  }
0x196: {  	_ =	swait.ge [sflag:s5], $0x4000;
	s13 =	sadd.s32 @!p1 s16, s29  }
0x197: {  	s17 =	simm.s32 @!p1 $0x0;
	[sflag:s5] =	ssyncset.done $0x0;
	s16 =	sshrl.u32 @!p1 s13, $0x3  }
0x198: {  	s24 =	simm.s32 @!p1 $0x80;
	[sflag:s5] =	ssyncadd.s32 $0xFFFFC000;
	s13 =	sadd.s32 @!p1 s2, s16  }
0x199: {  	[tilespmem:s24], [sflag:$0x5] =	stream.linear.gather @!p1 [hbm4b:s13+s17], $0x80, $0x38;
	[tilespmem:$0x1FE80] =	vst v63  }
0x19a: {  	s13 =	sadd.s32 @!p1 s3, s16;
	s24 =	simm.s32 @!p1 $0x280  }
0x19b: {  	[tilespmem:s24], [sflag:$0x8] =	stream.linear.gather @!p1 [hbm4b:s13+s17], $0x80, $0x38;
	[tilespmem:$0x1FE80] =	vst v63  }
0x19c: {  	_ =	swait.ge [sflag:s19], $0x80  }
0x19d: {  	[sflag:s19] =	ssyncset.done $0x0  }
0x19e: {  	s31 =	simm.s32 $0x382;
	[sflag:s19] =	ssyncadd.s32 $0xFFFFFF80  }
0x19f: {  	s13 =	simm.s32 $0x8700;
	v1 =	vld.msk [tilespmem:s31+$0x1 ss:$0x0], $0xffff  }
0x1a0: {  	v2 =	vld [tilespmem:s13+$0xF0]  }
0x1a1: {  	v3 =	vld.msk [tilespmem:s31+$0xFFFFFFFE ss:$0x0], $0xffff  }
0x1a2: {  	v4 =	vld [tilespmem:s13+$0xFFFFFF00]  }
0x1a3: {  	v5 =	vld [tilespmem:s13+$0xFFFFFF10]  }
0x1a4: {  	v6 =	vld [tilespmem:s13+$0xFFFFFF20]  }
0x1a5: {  	v7 =	vld [tilespmem:s13+$0xFFFFFF30]  }
0x1a6: {  	v10 =	vld [tilespmem:s13+$0xFFFFFF60]  }
0x1a7: {  	v8 =	vld [tilespmem:s13+$0xFFFFFF40]  }
0x1a8: {  	v9 =	vld [tilespmem:s13+$0xFFFFFF50];
	v4 =	vmul.f32 v3, v4  }
0x1a9: {  	v11 =	vld.msk [tilespmem:s31+$0xFFFFFFFF ss:$0x0], $0xffff;
	v2 =	vmul.f32 v2, v1  }
0x1aa: {  	v12 =	vld [tilespmem:s13+$0xFFFFFF80];
	v5 =	vmul.f32 v5, v3;
	[tilespmem:s13+$0xFFFFFF00] =	vst v4  }
0x1ab: {  	v63 =	vld [tilespmem:s13+$0xFFFFFFD0];
	v10 =	vmul.f32 v10, v3;
	[tilespmem:s13+$0xF0] =	vst v2  }
0x1ac: {  	v4 =	vld [tilespmem:s13+$0xFFFFFF70];
	v2 =	vmul.f32 v6, v3;
	[tilespmem:s13+$0xFFFFFF10] =	vst v5  }
0x1ad: {  	v6 =	vld [tilespmem:s13+$0xFFFFFF90];
	v5 =	vmul.f32 v7, v3;
	[tilespmem:s13+$0xFFFFFF60] =	vst v10  }
0x1ae: {  	v7 =	vld [tilespmem:s13+$0xFFFFFFA0];
	[tilespmem:s13+$0xFFFFFF20] =	vst v2;
	v2 =	vmul.f32 v8, v3  }
0x1af: {  	v8 =	vld [tilespmem:s13+$0xFFFFFFB0];
	[tilespmem:s13+$0xFFFFFF30] =	vst v5;
	v5 =	vmul.f32 v9, v3  }
0x1b0: {  	v9 =	vld [tilespmem:s13+$0xFFFFFFC0];
	[tilespmem:s13+$0xFFFFFF40] =	vst v2;
	v2 =	vmul.f32 v11, v12  }
0x1b1: {  	[tilespmem:s13+$0xFFFFFF50] =	vst v5;
	v5 =	vld [tilespmem:s13+$0xFFFFFFE0];
	v3 =	vmul.f32 v4, v3  }
0x1b2: {  	v4 =	vld.msk [tilespmem:s31+$0x0 ss:$0x0], $0xffff;
	[tilespmem:s13+$0xFFFFFF80] =	vst v2;
	v2 =	vmul.f32 v6, v11  }
0x1b3: {  	v6 =	vld [tilespmem:s13+$0xFFFFFFF0];
	[tilespmem:s13+$0xFFFFFF70] =	vst v3;
	v3 =	vmul.f32 v7, v11  }
0x1b4: {  	v7 =	vld [tilespmem:s13+$0x0];
	[tilespmem:s13+$0xFFFFFF90] =	vst v2;
	v2 =	vmul.f32 v8, v11  }
0x1b5: {  	v8 =	vld [tilespmem:s13+$0x10];
	[tilespmem:s13+$0xFFFFFFA0] =	vst v3;
	v3 =	vmul.f32 v9, v11  }
0x1b6: {  	v9 =	vld [tilespmem:s13+$0x20];
	[tilespmem:s13+$0xFFFFFFB0] =	vst v2;
	v2 =	vmul.f32 v63, v11  }
0x1b7: {  	v10 =	vld [tilespmem:s13+$0x30];
	[tilespmem:s13+$0xFFFFFFC0] =	vst v3;
	v3 =	vmul.f32 v5, v11  }
0x1b8: {  	v5 =	vld [tilespmem:s13+$0x40];
	v6 =	vmul.f32 v6, v11;
	[tilespmem:s13+$0xFFFFFFD0] =	vst v2  }
0x1b9: {  	v2 =	vmul.f32 v4, v7;
	v7 =	vld [tilespmem:s13+$0x50];
	[tilespmem:s13+$0xFFFFFFE0] =	vst v3  }
0x1ba: {  	v11 =	vld [tilespmem:s13+$0x60];
	v3 =	vmul.f32 v8, v4;
	[tilespmem:s13+$0xFFFFFFF0] =	vst v6  }
0x1bb: {  	v6 =	vld [tilespmem:s13+$0x70];
	[tilespmem:s13+$0x0] =	vst v2;
	v2 =	vmul.f32 v9, v4  }
0x1bc: {  	v8 =	vld [tilespmem:s13+$0x80];
	[tilespmem:s13+$0x10] =	vst v3;
	v3 =	vmul.f32 v10, v4  }
0x1bd: {  	v9 =	vld [tilespmem:s13+$0x90];
	[tilespmem:s13+$0x20] =	vst v2;
	v2 =	vmul.f32 v5, v4  }
0x1be: {  	[tilespmem:s13+$0x30] =	vst v3;
	v5 =	vmul.f32 v7, v4;
	v3 =	vld [tilespmem:s13+$0xA0]  }
0x1bf: {  	v7 =	vmul.f32 v11, v4;
	[tilespmem:s13+$0x40] =	vst v2;
	v2 =	vld [tilespmem:s13+$0xB0]  }
0x1c0: {  	v6 =	vmul.f32 v6, v4;
	v4 =	vld [tilespmem:s13+$0xC0];
	[tilespmem:s13+$0x50] =	vst v5  }
0x1c1: {  	v8 =	vmul.f32 v1, v8;
	[tilespmem:s13+$0x60] =	vst v7;
	v5 =	vld [tilespmem:s13+$0xD0]  }
0x1c2: {  	s25 =	simm.s32 $0x8700;
	s17 =	simm.s32 $0x0;
	s24 =	simm.s32 $0x386;
	v7 =	vmul.f32 v9, v1;
	[tilespmem:s13+$0x70] =	vst v6;
	v6 =	vld [tilespmem:s13+$0xE0]  }
.LBB2_9:
0x1c3: {  	v9 =	vld.msk [tilespmem:s24+$0x1 ss:$0x0], $0xffff;
	s17 =	sadd.s32 $0x4, s17;
	[tilespmem:s13+$0x80] =	vst v8;
	v3 =	vmul.f32 v3, v1;
	s25 =	sadd.s32 $0x200, s25  }
0x1c4: {  	v8 =	vld [tilespmem:s25+$0xF0];
	p2 =	slt.u32 s17, $0x7C;
	[tilespmem:s13+$0x90] =	vst v7;
	v2 =	vmul.f32 v2, v1  }
0x1c5: {  	v7 =	vld.msk [tilespmem:s24+$0xFFFFFFFF ss:$0x0], $0xffff;
	[tilespmem:s13+$0xA0] =	vst v3;
	v3 =	vmul.f32 v4, v1  }
0x1c6: {  	v4 =	vld.msk [tilespmem:s24+$0x0 ss:$0x0], $0xffff;
	[tilespmem:s13+$0xB0] =	vst v2;
	v2 =	vmul.f32 v5, v1  }
0x1c7: {  	v5 =	vld.msk [tilespmem:s24+$0xFFFFFFFE ss:$0x0], $0xffff;
	[tilespmem:s13+$0xC0] =	vst v3;
	v10 =	vmul.f32 v6, v1  }
0x1c8: {  	v3 =	vld [tilespmem:s25+$0xFFFFFF00];
	[tilespmem:s13+$0xD0] =	vst v2  }
0x1c9: {  	v1 =	vmov v9;
	v2 =	vld [tilespmem:s25+$0xFFFFFF10];
	v6 =	vmul.f32 v8, v9;
	[tilespmem:s13+$0xE0] =	vst v10;
	s13 =	smov.u32 s25  }
0x1ca: {  	v8 =	vld [tilespmem:s25+$0xFFFFFF20]  }
0x1cb: {  	v9 =	vld [tilespmem:s25+$0xFFFFFF30];
	[tilespmem:s25+$0xF0] =	vst v6  }
0x1cc: {  	v6 =	vld [tilespmem:s25+$0xFFFFFF40]  }
0x1cd: {  	v3 =	vmul.f32 v5, v3;
	v10 =	vld [tilespmem:s25+$0xFFFFFF50]  }
0x1ce: {  	v2 =	vmul.f32 v2, v5;
	v11 =	vld [tilespmem:s25+$0xFFFFFF60]  }
0x1cf: {  	[tilespmem:s25+$0xFFFFFF00] =	vst v3;
	v3 =	vmul.f32 v8, v5;
	v8 =	vld [tilespmem:s25+$0xFFFFFF70]  }
0x1d0: {  	[tilespmem:s25+$0xFFFFFF10] =	vst v2;
	v2 =	vmul.f32 v9, v5;
	v9 =	vld [tilespmem:s25+$0xFFFFFF80]  }
0x1d1: {  	[tilespmem:s25+$0xFFFFFF20] =	vst v3;
	v3 =	vmul.f32 v6, v5;
	v6 =	vld [tilespmem:s25+$0xFFFFFF90]  }
0x1d2: {  	[tilespmem:s25+$0xFFFFFF30] =	vst v2;
	v2 =	vmul.f32 v10, v5;
	v10 =	vld [tilespmem:s25+$0xFFFFFFA0]  }
0x1d3: {  	[tilespmem:s25+$0xFFFFFF40] =	vst v3;
	v3 =	vmul.f32 v11, v5;
	v11 =	vld [tilespmem:s25+$0xFFFFFFB0]  }
0x1d4: {  	[tilespmem:s25+$0xFFFFFF50] =	vst v2;
	v2 =	vmul.f32 v8, v5;
	v5 =	vld [tilespmem:s25+$0xFFFFFFC0]  }
0x1d5: {  	[tilespmem:s25+$0xFFFFFF60] =	vst v3;
	v3 =	vmul.f32 v7, v9;
	v8 =	vld [tilespmem:s25+$0xFFFFFFD0]  }
0x1d6: {  	[tilespmem:s25+$0xFFFFFF70] =	vst v2;
	v2 =	vmul.f32 v6, v7;
	v6 =	vld [tilespmem:s25+$0xFFFFFFE0]  }
0x1d7: {  	[tilespmem:s25+$0xFFFFFF80] =	vst v3;
	v3 =	vmul.f32 v10, v7;
	v9 =	vld [tilespmem:s25+$0xFFFFFFF0]  }
0x1d8: {  	[tilespmem:s25+$0xFFFFFF90] =	vst v2;
	v2 =	vmul.f32 v11, v7;
	v10 =	vld [tilespmem:s25+$0x0]  }
0x1d9: {  	[tilespmem:s25+$0xFFFFFFA0] =	vst v3;
	v3 =	vmul.f32 v5, v7;
	v5 =	vld [tilespmem:s25+$0x10]  }
0x1da: {  	[tilespmem:s25+$0xFFFFFFB0] =	vst v2;
	v2 =	vmul.f32 v8, v7;
	v8 =	vld [tilespmem:s25+$0x20]  }
0x1db: {  	[tilespmem:s25+$0xFFFFFFC0] =	vst v3;
	v3 =	vmul.f32 v6, v7;
	v6 =	vld [tilespmem:s25+$0x30]  }
0x1dc: {  	[tilespmem:s25+$0xFFFFFFD0] =	vst v2;
	v2 =	vmul.f32 v9, v7;
	v7 =	vld [tilespmem:s25+$0x40]  }
0x1dd: {  	[tilespmem:s25+$0xFFFFFFE0] =	vst v3;
	v3 =	vmul.f32 v4, v10;
	v9 =	vld [tilespmem:s25+$0x50]  }
0x1de: {  	[tilespmem:s25+$0xFFFFFFF0] =	vst v2;
	v2 =	vmul.f32 v5, v4;
	v5 =	vld [tilespmem:s25+$0x60]  }
0x1df: {  	[tilespmem:s25+$0x0] =	vst v3;
	v3 =	vmul.f32 v8, v4;
	v8 =	vld [tilespmem:s25+$0x70]  }
0x1e0: {  	[tilespmem:s25+$0x10] =	vst v2;
	v2 =	vmul.f32 v6, v4;
	v6 =	vld [tilespmem:s25+$0x80]  }
0x1e1: {  	[tilespmem:s25+$0x20] =	vst v3;
	v7 =	vmul.f32 v7, v4;
	v10 =	vld [tilespmem:s25+$0x90]  }
.Ltmp5:
0x1e2: {  	[tilespmem:s25+$0x30] =	vst v2;
	v9 =	vmul.f32 v9, v4;
	v3 =	vld [tilespmem:s25+$0xA0];
	(pc) =	sbr.rel @p2 .LBB2_9-.Ltmp5, $4  }
0x1e3: {  	[tilespmem:s25+$0x40] =	vst v7;
	v5 =	vmul.f32 v5, v4;
	v2 =	vld [tilespmem:s25+$0xB0]  }
0x1e4: {  	[tilespmem:s25+$0x50] =	vst v9;
	v7 =	vmul.f32 v8, v4;
	v4 =	vld [tilespmem:s25+$0xC0]  }
0x1e5: {  	[tilespmem:s25+$0x60] =	vst v5;
	v8 =	vmul.f32 v1, v6;
	v5 =	vld [tilespmem:s25+$0xD0]  }
0x1e6: {  	s24 =	sadd.s32 $0x4, s24;
	[tilespmem:s25+$0x70] =	vst v7;
	v7 =	vmul.f32 v10, v1;
	v6 =	vld [tilespmem:s25+$0xE0]  }
0x1e7: {  	[tilespmem:s13+$0x80] =	vst v8;
	v3 =	vmul.f32 v3, v1  }
0x1e8: {  	[tilespmem:s13+$0x90] =	vst v7;
	v2 =	vmul.f32 v2, v1  }
0x1e9: {  	[tilespmem:s13+$0xA0] =	vst v3;
	v3 =	vmul.f32 v4, v1  }
0x1ea: {  	[tilespmem:s13+$0xB0] =	vst v2;
	v2 =	vmul.f32 v5, v1  }
0x1eb: {  	[tilespmem:s13+$0xC0] =	vst v3;
	v1 =	vmul.f32 v6, v1  }
0x1ec: {  	[tilespmem:s13+$0xD0] =	vst v2  }
0x1ed: {  	[tilespmem:s13+$0xE0] =	vst v1  }
0x1ee: {  	_ =	swait.ge [sflag:s30], $0x80  }
0x1ef: {  	[sflag:s30] =	ssyncset.done $0x0  }
0x1f0: {  	s13 =	simm.s32 @!p1 $0xE;
	[sflag:s30] =	ssyncadd.s32 $0xFFFFFF80  }
0x1f1: {  	[spmem:s4] =	stream.indirect.scatter.add.f32 [tilespmem:s23], [sflag:$0xF], $0x80, s9, s15, $0xb8;
	[tilespmem:$0x1FE80] =	vst v63  }
0x1f2: {  	_ =	swait.ge @!p1 [sflag:s13], $0x4000  }
0x1f3: {  	[sflag:s13] =	ssyncset.done @!p1 $0x0  }
0x1f4: {  	[sflag:s13] =	ssyncadd.s32 @!p1 $0xFFFFC000;
	s13 =	simm.s32 @!p1 $0x5  }
0x1f5: {  	_ =	swait.ge @!p1 [sflag:s13], $0x80  }
0x1f6: {  	s17 =	simm.s32 @!p1 $0x80;
	[sflag:s13] =	ssyncset.done @!p1 $0x0  }
0x1f7: {  	s24 =	simm.s32 @!p1 $0x4600;
	[sflag:s13] =	ssyncadd.s32 @!p1 $0xFFFFFF80;
	s13 =	simm.s32 @!p1 $0x40  }
0x1f8: {  	[tilespmem:s24], [sflag:$0x2] =	stream.indirect.gather @!p1 [hbm4b:s1+s13], $0x80, s17, s13, $0xb8;
	[tilespmem:$0x1FE80] =	vst v63  }
0x1f9: {  	s8 =	sadd.s32 $0x1, s8;
	s17 =	simm.s32 @!p1 $0xC0;
	s24 =	simm.s32 @!p1 $0x6600  }
0x1fa: {  	[tilespmem:s24], [sflag:$0x2] =	stream.indirect.gather @!p1 [hbm4b:s1+s13], $0x80, s17, s13, $0xb8;
	[tilespmem:$0x1FE80] =	vst v63  }
0x1fb: {  	s13 =	sadd.s32 @!p1 s7, s16;
	s16 =	simm.s32 @!p1 $0x0;
	s17 =	simm.s32 @!p1 $0x500  }
0x1fc: {  	[tilespmem:s17], [sflag:$0xB] =	stream.linear.gather @!p1 [hbm4b:s13+s16], $0x80, $0x38;
	[tilespmem:$0x1FE80] =	vst v63  }
0x1fd: {  	p1 =	sne.s32 s8, $0x34  }
.Ltmp6:
0x1fe: {  	_ = 	snop;
	(pc) =	sbr.rel @p1 .LBB2_4-.Ltmp6, $1  }
0x1ff: {  	_ =	sdelay $0x3  }
.Ltmp7:
0x200: {  	(pc) =	sbr.rel @p0 .LBB2_15-.Ltmp7, $4  }
0x201: {  	s25 =	rddreg [dreg:$0x8]  }
0x202: {  	s26 =	rddreg [dreg:$0x9]  }
0x203: {  	s31 =	rddreg [dreg:$0xa]  }
0x204: {  	s24 =	rddreg [dreg:$0x1a]  }
0x205: {  	_ =	swait.ge [sflag:s0], $0x4000  }
0x206: {  	[sflag:s0] =	ssyncset.done $0x0  }
0x207: {  	[sflag:s0] =	ssyncadd.s32 $0xFFFFC000  }
0x208: {  	_ =	swait.ge [sflag:s20], $0x80  }
0x209: {  	[sflag:s20] =	ssyncset.done $0x0  }
0x20a: {  	s13 =	simm.s32 $0x182;
	[sflag:s20] =	ssyncadd.s32 $0xFFFFFF80  }
0x20b: {  	s8 =	simm.s32 $0x700;
	v1 =	vld.msk [tilespmem:s13+$0x1 ss:$0x0], $0xffff  }
0x20c: {  	v2 =	vld [tilespmem:s8+$0xF0]  }
0x20d: {  	v3 =	vld.msk [tilespmem:s13+$0xFFFFFFFE ss:$0x0], $0xffff  }
0x20e: {  	v4 =	vld [tilespmem:s8+$0xFFFFFF00]  }
0x20f: {  	v5 =	vld [tilespmem:s8+$0xFFFFFF10]  }
0x210: {  	v6 =	vld [tilespmem:s8+$0xFFFFFF20]  }
0x211: {  	v7 =	vld [tilespmem:s8+$0xFFFFFF30]  }
0x212: {  	v10 =	vld [tilespmem:s8+$0xFFFFFF60]  }
0x213: {  	v8 =	vld [tilespmem:s8+$0xFFFFFF40]  }
0x214: {  	v9 =	vld [tilespmem:s8+$0xFFFFFF50];
	v4 =	vmul.f32 v3, v4  }
0x215: {  	v11 =	vld.msk [tilespmem:s13+$0xFFFFFFFF ss:$0x0], $0xffff;
	v2 =	vmul.f32 v2, v1  }
0x216: {  	v12 =	vld [tilespmem:s8+$0xFFFFFF80];
	v5 =	vmul.f32 v5, v3;
	[tilespmem:s8+$0xFFFFFF00] =	vst v4  }
0x217: {  	v63 =	vld [tilespmem:s8+$0xFFFFFFD0];
	v10 =	vmul.f32 v10, v3;
	[tilespmem:s8+$0xF0] =	vst v2  }
0x218: {  	v4 =	vld [tilespmem:s8+$0xFFFFFF70];
	v2 =	vmul.f32 v6, v3;
	[tilespmem:s8+$0xFFFFFF10] =	vst v5  }
0x219: {  	v6 =	vld [tilespmem:s8+$0xFFFFFF90];
	v5 =	vmul.f32 v7, v3;
	[tilespmem:s8+$0xFFFFFF60] =	vst v10  }
0x21a: {  	v7 =	vld [tilespmem:s8+$0xFFFFFFA0];
	[tilespmem:s8+$0xFFFFFF20] =	vst v2;
	v2 =	vmul.f32 v8, v3  }
0x21b: {  	v8 =	vld [tilespmem:s8+$0xFFFFFFB0];
	[tilespmem:s8+$0xFFFFFF30] =	vst v5;
	v5 =	vmul.f32 v9, v3  }
0x21c: {  	v9 =	vld [tilespmem:s8+$0xFFFFFFC0];
	[tilespmem:s8+$0xFFFFFF40] =	vst v2;
	v2 =	vmul.f32 v11, v12  }
0x21d: {  	[tilespmem:s8+$0xFFFFFF50] =	vst v5;
	v5 =	vld [tilespmem:s8+$0xFFFFFFE0];
	v3 =	vmul.f32 v4, v3  }
0x21e: {  	v4 =	vld.msk [tilespmem:s13+$0x0 ss:$0x0], $0xffff;
	[tilespmem:s8+$0xFFFFFF80] =	vst v2;
	v2 =	vmul.f32 v6, v11  }
0x21f: {  	v6 =	vld [tilespmem:s8+$0xFFFFFFF0];
	[tilespmem:s8+$0xFFFFFF70] =	vst v3;
	v3 =	vmul.f32 v7, v11  }
0x220: {  	v7 =	vld [tilespmem:s8+$0x0];
	[tilespmem:s8+$0xFFFFFF90] =	vst v2;
	v2 =	vmul.f32 v8, v11  }
0x221: {  	v8 =	vld [tilespmem:s8+$0x10];
	[tilespmem:s8+$0xFFFFFFA0] =	vst v3;
	v3 =	vmul.f32 v9, v11  }
0x222: {  	v9 =	vld [tilespmem:s8+$0x20];
	[tilespmem:s8+$0xFFFFFFB0] =	vst v2;
	v2 =	vmul.f32 v63, v11  }
0x223: {  	v10 =	vld [tilespmem:s8+$0x30];
	[tilespmem:s8+$0xFFFFFFC0] =	vst v3;
	v3 =	vmul.f32 v5, v11  }
0x224: {  	v5 =	vld [tilespmem:s8+$0x40];
	v6 =	vmul.f32 v6, v11;
	[tilespmem:s8+$0xFFFFFFD0] =	vst v2  }
0x225: {  	v2 =	vmul.f32 v4, v7;
	v7 =	vld [tilespmem:s8+$0x50];
	[tilespmem:s8+$0xFFFFFFE0] =	vst v3  }
0x226: {  	v11 =	vld [tilespmem:s8+$0x60];
	v3 =	vmul.f32 v8, v4;
	[tilespmem:s8+$0xFFFFFFF0] =	vst v6  }
0x227: {  	v6 =	vld [tilespmem:s8+$0x70];
	[tilespmem:s8+$0x0] =	vst v2;
	v2 =	vmul.f32 v9, v4  }
0x228: {  	v8 =	vld [tilespmem:s8+$0x80];
	[tilespmem:s8+$0x10] =	vst v3;
	v3 =	vmul.f32 v10, v4  }
0x229: {  	v9 =	vld [tilespmem:s8+$0x90];
	[tilespmem:s8+$0x20] =	vst v2;
	v2 =	vmul.f32 v5, v4  }
0x22a: {  	[tilespmem:s8+$0x30] =	vst v3;
	v5 =	vmul.f32 v7, v4;
	v3 =	vld [tilespmem:s8+$0xA0]  }
0x22b: {  	v7 =	vmul.f32 v11, v4;
	[tilespmem:s8+$0x40] =	vst v2;
	v2 =	vld [tilespmem:s8+$0xB0]  }
0x22c: {  	v6 =	vmul.f32 v6, v4;
	v4 =	vld [tilespmem:s8+$0xC0];
	[tilespmem:s8+$0x50] =	vst v5  }
0x22d: {  	v8 =	vmul.f32 v1, v8;
	[tilespmem:s8+$0x60] =	vst v7;
	v5 =	vld [tilespmem:s8+$0xD0]  }
0x22e: {  	s16 =	simm.s32 $0x186;
	s17 =	simm.s32 $0x700;
	s13 =	simm.s32 $0x0;
	v7 =	vmul.f32 v9, v1;
	[tilespmem:s8+$0x70] =	vst v6;
	v6 =	vld [tilespmem:s8+$0xE0]  }
.LBB2_13:
0x22f: {  	v9 =	vld.msk [tilespmem:s16+$0x1 ss:$0x0], $0xffff;
	s13 =	sadd.s32 $0x4, s13;
	[tilespmem:s8+$0x80] =	vst v8;
	v3 =	vmul.f32 v3, v1;
	s17 =	sadd.s32 $0x200, s17  }
0x230: {  	v8 =	vld [tilespmem:s17+$0xF0];
	p1 =	slt.u32 s13, $0x7C;
	[tilespmem:s8+$0x90] =	vst v7;
	v2 =	vmul.f32 v2, v1  }
0x231: {  	v7 =	vld.msk [tilespmem:s16+$0xFFFFFFFF ss:$0x0], $0xffff;
	[tilespmem:s8+$0xA0] =	vst v3;
	v3 =	vmul.f32 v4, v1  }
0x232: {  	v4 =	vld.msk [tilespmem:s16+$0x0 ss:$0x0], $0xffff;
	[tilespmem:s8+$0xB0] =	vst v2;
	v2 =	vmul.f32 v5, v1  }
0x233: {  	v5 =	vld.msk [tilespmem:s16+$0xFFFFFFFE ss:$0x0], $0xffff;
	[tilespmem:s8+$0xC0] =	vst v3;
	v10 =	vmul.f32 v6, v1  }
0x234: {  	v3 =	vld [tilespmem:s17+$0xFFFFFF00];
	[tilespmem:s8+$0xD0] =	vst v2  }
0x235: {  	v1 =	vmov v9;
	v2 =	vld [tilespmem:s17+$0xFFFFFF10];
	v6 =	vmul.f32 v8, v9;
	[tilespmem:s8+$0xE0] =	vst v10;
	s8 =	smov.u32 s17  }
0x236: {  	v8 =	vld [tilespmem:s17+$0xFFFFFF20]  }
0x237: {  	v9 =	vld [tilespmem:s17+$0xFFFFFF30];
	[tilespmem:s17+$0xF0] =	vst v6  }
0x238: {  	v6 =	vld [tilespmem:s17+$0xFFFFFF40]  }
0x239: {  	v3 =	vmul.f32 v5, v3;
	v10 =	vld [tilespmem:s17+$0xFFFFFF50]  }
0x23a: {  	v2 =	vmul.f32 v2, v5;
	v11 =	vld [tilespmem:s17+$0xFFFFFF60]  }
0x23b: {  	[tilespmem:s17+$0xFFFFFF00] =	vst v3;
	v3 =	vmul.f32 v8, v5;
	v8 =	vld [tilespmem:s17+$0xFFFFFF70]  }
0x23c: {  	[tilespmem:s17+$0xFFFFFF10] =	vst v2;
	v2 =	vmul.f32 v9, v5;
	v9 =	vld [tilespmem:s17+$0xFFFFFF80]  }
0x23d: {  	[tilespmem:s17+$0xFFFFFF20] =	vst v3;
	v3 =	vmul.f32 v6, v5;
	v6 =	vld [tilespmem:s17+$0xFFFFFF90]  }
0x23e: {  	[tilespmem:s17+$0xFFFFFF30] =	vst v2;
	v2 =	vmul.f32 v10, v5;
	v10 =	vld [tilespmem:s17+$0xFFFFFFA0]  }
0x23f: {  	[tilespmem:s17+$0xFFFFFF40] =	vst v3;
	v3 =	vmul.f32 v11, v5;
	v11 =	vld [tilespmem:s17+$0xFFFFFFB0]  }
0x240: {  	[tilespmem:s17+$0xFFFFFF50] =	vst v2;
	v2 =	vmul.f32 v8, v5;
	v5 =	vld [tilespmem:s17+$0xFFFFFFC0]  }
0x241: {  	[tilespmem:s17+$0xFFFFFF60] =	vst v3;
	v3 =	vmul.f32 v7, v9;
	v8 =	vld [tilespmem:s17+$0xFFFFFFD0]  }
0x242: {  	[tilespmem:s17+$0xFFFFFF70] =	vst v2;
	v2 =	vmul.f32 v6, v7;
	v6 =	vld [tilespmem:s17+$0xFFFFFFE0]  }
0x243: {  	[tilespmem:s17+$0xFFFFFF80] =	vst v3;
	v3 =	vmul.f32 v10, v7;
	v9 =	vld [tilespmem:s17+$0xFFFFFFF0]  }
0x244: {  	[tilespmem:s17+$0xFFFFFF90] =	vst v2;
	v2 =	vmul.f32 v11, v7;
	v10 =	vld [tilespmem:s17+$0x0]  }
0x245: {  	[tilespmem:s17+$0xFFFFFFA0] =	vst v3;
	v3 =	vmul.f32 v5, v7;
	v5 =	vld [tilespmem:s17+$0x10]  }
0x246: {  	[tilespmem:s17+$0xFFFFFFB0] =	vst v2;
	v2 =	vmul.f32 v8, v7;
	v8 =	vld [tilespmem:s17+$0x20]  }
0x247: {  	[tilespmem:s17+$0xFFFFFFC0] =	vst v3;
	v3 =	vmul.f32 v6, v7;
	v6 =	vld [tilespmem:s17+$0x30]  }
0x248: {  	[tilespmem:s17+$0xFFFFFFD0] =	vst v2;
	v2 =	vmul.f32 v9, v7;
	v7 =	vld [tilespmem:s17+$0x40]  }
0x249: {  	[tilespmem:s17+$0xFFFFFFE0] =	vst v3;
	v3 =	vmul.f32 v4, v10;
	v9 =	vld [tilespmem:s17+$0x50]  }
0x24a: {  	[tilespmem:s17+$0xFFFFFFF0] =	vst v2;
	v2 =	vmul.f32 v5, v4;
	v5 =	vld [tilespmem:s17+$0x60]  }
0x24b: {  	[tilespmem:s17+$0x0] =	vst v3;
	v3 =	vmul.f32 v8, v4;
	v8 =	vld [tilespmem:s17+$0x70]  }
0x24c: {  	[tilespmem:s17+$0x10] =	vst v2;
	v2 =	vmul.f32 v6, v4;
	v6 =	vld [tilespmem:s17+$0x80]  }
0x24d: {  	[tilespmem:s17+$0x20] =	vst v3;
	v7 =	vmul.f32 v7, v4;
	v10 =	vld [tilespmem:s17+$0x90]  }
.Ltmp8:
0x24e: {  	[tilespmem:s17+$0x30] =	vst v2;
	v9 =	vmul.f32 v9, v4;
	v3 =	vld [tilespmem:s17+$0xA0];
	(pc) =	sbr.rel @p1 .LBB2_13-.Ltmp8, $4  }
0x24f: {  	[tilespmem:s17+$0x40] =	vst v7;
	v5 =	vmul.f32 v5, v4;
	v2 =	vld [tilespmem:s17+$0xB0]  }
0x250: {  	[tilespmem:s17+$0x50] =	vst v9;
	v7 =	vmul.f32 v8, v4;
	v4 =	vld [tilespmem:s17+$0xC0]  }
0x251: {  	[tilespmem:s17+$0x60] =	vst v5;
	v8 =	vmul.f32 v1, v6;
	v5 =	vld [tilespmem:s17+$0xD0]  }
0x252: {  	s16 =	sadd.s32 $0x4, s16;
	[tilespmem:s17+$0x70] =	vst v7;
	v7 =	vmul.f32 v10, v1;
	v6 =	vld [tilespmem:s17+$0xE0]  }
0x253: {  	[tilespmem:s8+$0x80] =	vst v8;
	v3 =	vmul.f32 v3, v1  }
0x254: {  	[tilespmem:s8+$0x90] =	vst v7;
	v2 =	vmul.f32 v2, v1  }
0x255: {  	[tilespmem:s8+$0xA0] =	vst v3;
	v3 =	vmul.f32 v4, v1  }
0x256: {  	[tilespmem:s8+$0xB0] =	vst v2;
	v2 =	vmul.f32 v5, v1  }
0x257: {  	[tilespmem:s8+$0xC0] =	vst v3;
	v1 =	vmul.f32 v6, v1  }
0x258: {  	[tilespmem:s8+$0xD0] =	vst v2  }
0x259: {  	[tilespmem:s8+$0xE0] =	vst v1  }
.Ltmp9:
0x25a: {  	_ =	swait.ge [sflag:s21], $0x80;
	(pc) =	sbr.rel .LBB2_15-.Ltmp9, $4  }
0x25b: {  	[sflag:s21] =	ssyncset.done $0x0  }
0x25c: {  	s24 =	simm.s32 $0x600;
	s13 =	simm.s32 $0x480;
	[sflag:s21] =	ssyncadd.s32 $0xFFFFFF80  }
0x25d: {  	[spmem:s4] =	stream.indirect.scatter.add.f32 [tilespmem:s24], [sflag:$0xD], $0x80, s13, s15, $0xb8;
	[tilespmem:$0x1FE80] =	vst v63  }
0x25e: {  	s24 =	rddreg [dreg:$0x1a]  }
.LBB2_16:
0x25f: {  	_ =	sfence.sel $0x180000  }
0x260: {  	[bflag:$0x0] =	sbarrier.arrive $0xFFFF  }
0x261: {  	_ =	strace $0x90000047  }
0x262: {  	s0 =	stileid.u32;
	[bflag:$0x2] =	sbarrier.arrive $0xFFFF  }
0x263: {  	p0 =	sne.s32 s0, $0x0;
	s0 =	rddreg [dreg:$0x5]  }
0x264: {  	s0 =	sadd.s32 @!p0 $0x100000, s0  }
0x265: {  	[sflag:s0] =	ssyncadd.tile.s32 @!p0 $0x1;
	_ =	shalt  }
.Lfunc_end2:
_tile_overlayer_lowered:
.L_overlay_start_2:
0x266: {  	(tag) =	ssettag $0x2  }
0x267: {  	s0 =	rddreg [dreg:$0x0];
	s2 =	stileid.u32  }
0x268: {  	s1 =	rddreg [dreg:$0x1];
	p0 =	sne.s32 s2, $0x0  }
0x269: {  	s3 =	rddreg [dreg:$0x2];
	[bflag:$0x3] =	sbarrier.arrive $0xFFFF;
	s2 =	simm.s32 @!p0 $0x1C10  }
0x26a: {  	[timem:s3], [sflag:s2] =	dma.local @!p0 [hbm:s0], s1  }
0x26b: {  	s0 =	simm.s32 @!p0 $0x10  }
0x26c: {  	_ =	swait.ge @!p0 [sflag:s0], s1  }
0x26d: {  	s1 =	ssub.s32 @!p0 $0x0, s1;
	[sflag:s0] =	ssyncset.done @!p0 $0x0  }
0x26e: {  	[sflag:s0] =	ssyncadd.s32 @!p0 s1  }
0x26f: {  	[bflag:$0x3] =	sbarrier.arrive $0xFFFF  }
0x270: {  	_ =	shalt  }

</sc_bundles>
